<compile_context>
chip_gen: v7x
topology: tpu7x:2x2x1
jax: 0.10.2.dev20260603
libtpu: 0.0.44.dev20260713+nightly
codegen_flags: <defaults>
</compile_context>

<pallas_src>
import functools

import jax
import jax.numpy as jnp
from jax import lax
from jax.experimental import pallas as pl
from jax.experimental.pallas import tpu as pltpu
from jax.experimental.pallas import tpu_sc as plsc

B, At, Nbr, D = 2, 512, 24, 64
NC, NS = 2, 16
SLABS = Nbr * Nbr
SPT = SLABS // NS
NBF = At * Nbr
LANES = 16
HALF = D // 2


def _mesh():
    return plsc.VectorSubcoreMesh(
        core_axis_name="c", subcore_axis_name="s", num_cores=NC, num_subcores=NS
    )


@functools.partial(
    pl.kernel,
    out_type=jax.ShapeDtypeStruct((B, Nbr, Nbr, D, At), jnp.float32),
    mesh=_mesh(),
    scratch_types=[
        pltpu.VMEM((D, At), jnp.float32),
        pltpu.VMEM((Nbr, At), jnp.int32),
        pltpu.VMEM((At,), jnp.int32),
        pltpu.VMEM((HALF, At), jnp.float32),
        pltpu.VMEM((HALF, At), jnp.float32),
        pltpu.SemaphoreType.DMA,
        pltpu.SemaphoreType.DMA,
    ],
    compiler_params=pltpu.CompilerParams(needs_layout_passes=False),
)
def _node_k_t(emb, nbr, out, emb_v, nbr_v, t2_ref, buf0, buf1, sem0, sem1):
    c = lax.axis_index("c")
    s = lax.axis_index("s")
    pltpu.sync_copy(emb.at[c], emb_v)
    pltpu.sync_copy(nbr.at[c], nbr_v)
    m0 = s * SPT

    def drain(buf, sem):
        pltpu.make_async_copy(out.at[0, 0, 0, pl.ds(0, HALF)], buf, sem).wait()

    def fill(buf, base_dd):
        def body(ablk, carry):
            t2v = t2_ref[pl.ds(ablk * LANES, LANES)]
            for dl4 in range(0, HALF, 8):
                gs = []
                for i in range(8):
                    row = jnp.full((LANES,), base_dd + dl4 + i, jnp.int32)
                    gs.append(plsc.load_gather(emb_v, [row, t2v]))
                for i in range(8):
                    buf[dl4 + i, pl.ds(ablk * LANES, LANES)] = gs[i]
            return carry

        lax.fori_loop(0, At // LANES, body, 0)

    def step(g, carry):
        m = m0 + g
        j = m // Nbr
        k = m - j * Nbr

        def build(ablk, carry2):
            a = ablk * LANES + lax.iota(jnp.int32, LANES)
            jv = jnp.full((LANES,), 0, jnp.int32) + j
            kv = jnp.full((LANES,), 0, jnp.int32) + k
            t1 = plsc.load_gather(nbr_v, [jv, a])
            t2 = plsc.load_gather(nbr_v, [kv, t1])
            t2_ref[pl.ds(ablk * LANES, LANES)] = t2
            return carry2

        lax.fori_loop(0, At // LANES, build, 0)

        @pl.when(g > 0)
        def _():
            drain(buf0, sem0)

        fill(buf0, 0)
        pltpu.async_copy(buf0, out.at[c, j, k, pl.ds(0, HALF)], sem0)

        @pl.when(g > 0)
        def _():
            drain(buf1, sem1)

        fill(buf1, HALF)
        pltpu.async_copy(buf1, out.at[c, j, k, pl.ds(HALF, HALF)], sem1)
        return carry

    lax.fori_loop(0, SPT, step, 0)
    drain(buf0, sem0)
    drain(buf1, sem1)


def kernel(node_embedding, nbr_idx):
    b, at, d = node_embedding.shape
    nbr = nbr_idx.shape[2]
    assert (b, at, nbr, d) == (B, At, Nbr, D)
    emb_t = jnp.transpose(node_embedding, (0, 2, 1))
    nbr_t = jnp.transpose(nbr_idx.astype(jnp.int32), (0, 2, 1))
    out_t = _node_k_t(emb_t, nbr_t)
    return jnp.transpose(out_t, (0, 4, 1, 2, 3))

# --- scband reference (transcript-rebuilt; emitter-appended) ---
"""Pipeline reference for scband-get-node-k-7335804141780 (READ-ONLY COPY).

The authoritative reference and input builder live on the scoring server;
editing this copy changes nothing except your own understanding.
"""

import jax, jax.numpy as jnp
import numpy as np


def setup_inputs(seed: int = 0) -> dict:
    key = jax.random.key(seed)
    k1, k2 = jax.random.split(key)
    B, At, Nbr, d = 2, 512, 24, 64
    node_embedding = jax.random.normal(k1, (B, At, d), dtype=jnp.float32)
    nbr_idx = jax.random.randint(k2, (B, At, Nbr), 0, At, dtype=jnp.int64)
    return {"node_embedding": node_embedding, "nbr_idx": nbr_idx}


def reference(node_embedding, nbr_idx):
    B, At, d = node_embedding.shape
    Nbr = nbr_idx.shape[2]
    # expand nbr_idx: (B, At, Nbr) -> (B, At, Nbr, Nbr) -> (B, At*Nbr, Nbr)
    nbr_idx_expand = jnp.broadcast_to(nbr_idx[:, :, :, None], (B, At, Nbr, Nbr)).reshape(B, At * Nbr, Nbr)
    # gather along dim 1: out[b,i,j] = nbr_idx[b, nbr_idx_expand[b,i,j], j]
    jnbh_idx = jnp.take_along_axis(nbr_idx, nbr_idx_expand, axis=1).reshape(B, At, Nbr, Nbr)
    jnbh_idx = jnbh_idx.reshape(B, At * Nbr * Nbr, 1)
    jnbh_idx = jnp.broadcast_to(jnbh_idx, (B, At * Nbr * Nbr, d))
    # gather node embeddings along atom dim
    node_k = jnp.take_along_axis(node_embedding, jnbh_idx, axis=1).reshape(B, At, Nbr, Nbr, d)
    return node_k

if __name__ == "__main__":
    import jax
    _d = setup_inputs()
    print(jax.jit(kernel)(*tuple(_d.values())))

</pallas_src>

<mosaic_0001>
#map = affine_map<(d0, d1) -> (0, 0, 0)>
#map1 = affine_map<(d0, d1) -> (0, 0, 0, 0, 0)>
module attributes {stable_mosaic.version = 14 : i64} {
  func.func @_node_k_t(%arg0: i32, %arg1: i32, %arg2: memref<2x64x512xf32, #tpu.memory_space<hbm>>, %arg3: memref<2x24x512xi32, #tpu.memory_space<hbm>>, %arg4: memref<2x24x24x64x512xf32, #tpu.memory_space<hbm>>, %arg5: memref<64x512xf32, #tpu.memory_space<vmem>>, %arg6: memref<24x512xi32, #tpu.memory_space<vmem>>, %arg7: memref<512xi32, #tpu.memory_space<vmem>>, %arg8: memref<32x512xf32, #tpu.memory_space<vmem>>, %arg9: memref<32x512xf32, #tpu.memory_space<vmem>>, %arg10: memref<!tpu.dma_semaphore, #tpu.memory_space<semaphore_mem>>, %arg11: memref<!tpu.dma_semaphore, #tpu.memory_space<semaphore_mem>>) attributes {dimension_semantics = [#tpu.dimension_semantics<core_parallel>, #tpu.dimension_semantics<subcore_parallel>], iteration_bounds = array<i64: 2, 16>, scalar_prefetch = 0 : i64, scratch_operands = 7 : i64, tpu.core_type = #tpu.core_type<sc_vector_subcore>, window_params = [{transform_indices = #map}, {transform_indices = #map}, {transform_indices = #map1}]} {
    "tpu.region"() ({
      %run_scoped3A = tpu.sem_alloc : memref<!tpu.dma_semaphore, #tpu.memory_space<semaphore_mem>>
      %dma_start3A = arith.constant 0 : i32
      %dma_start3A_27 = arith.constant 0 : i32
      %dma_start3A_28 = tpu.memref_slice %arg2[%arg0, %dma_start3A, %dma_start3A_27] : memref<2x64x512xf32, #tpu.memory_space<hbm>> -> memref<1x64x512xf32, #tpu.memory_space<hbm>>
      %dma_start3A_29 = tpu.memref_squeeze %dma_start3A_28 : memref<1x64x512xf32, #tpu.memory_space<hbm>> -> memref<64x512xf32, #tpu.memory_space<hbm>>
      %dma_start3A_30 = arith.constant 0 : i32
      %dma_start3A_31 = arith.constant 0 : i32
      %dma_start3A_32 = tpu.memref_slice %arg2[%arg0, %dma_start3A_30, %dma_start3A_31] : memref<2x64x512xf32, #tpu.memory_space<hbm>> -> memref<1x64x512xf32, #tpu.memory_space<hbm>>
      %dma_start3A_33 = tpu.memref_squeeze %dma_start3A_32 : memref<1x64x512xf32, #tpu.memory_space<hbm>> -> memref<64x512xf32, #tpu.memory_space<hbm>>
      tpu.enqueue_dma source(%dma_start3A_33 : memref<64x512xf32, #tpu.memory_space<hbm>>) target(%arg5 : memref<64x512xf32, #tpu.memory_space<vmem>>) target_semaphore(%run_scoped3A : memref<!tpu.dma_semaphore, #tpu.memory_space<semaphore_mem>>)
      %dma_wait3A_34 = arith.constant 0 : i32
      %dma_wait3A_35 = arith.constant 0 : i32
      %dma_wait3A_36 = tpu.memref_slice %arg2[%arg0, %dma_wait3A_34, %dma_wait3A_35] : memref<2x64x512xf32, #tpu.memory_space<hbm>> -> memref<1x64x512xf32, #tpu.memory_space<hbm>>
      %dma_wait3A_37 = tpu.memref_squeeze %dma_wait3A_36 : memref<1x64x512xf32, #tpu.memory_space<hbm>> -> memref<64x512xf32, #tpu.memory_space<hbm>>
      %dma_wait3A_38 = arith.constant 0 : i32
      %dma_wait3A_39 = arith.constant 0 : i32
      %dma_wait3A_40 = tpu.memref_slice %arg2[%arg0, %dma_wait3A_38, %dma_wait3A_39] : memref<2x64x512xf32, #tpu.memory_space<hbm>> -> memref<1x64x512xf32, #tpu.memory_space<hbm>>
      %dma_wait3A_41 = tpu.memref_squeeze %dma_wait3A_40 : memref<1x64x512xf32, #tpu.memory_space<hbm>> -> memref<64x512xf32, #tpu.memory_space<hbm>>
      tpu.wait_dma2 semaphore(%run_scoped3A : memref<!tpu.dma_semaphore, #tpu.memory_space<semaphore_mem>>) src(%dma_wait3A_41 : memref<64x512xf32, #tpu.memory_space<hbm>>) dst(%arg5 : memref<64x512xf32, #tpu.memory_space<vmem>>)
      tpu.yield
    }) : () -> ()
    "tpu.region"() ({
      %run_scoped3A = tpu.sem_alloc : memref<!tpu.dma_semaphore, #tpu.memory_space<semaphore_mem>>
      %dma_start3A = arith.constant 0 : i32
      %dma_start3A_27 = arith.constant 0 : i32
      %dma_start3A_28 = tpu.memref_slice %arg3[%arg0, %dma_start3A, %dma_start3A_27] : memref<2x24x512xi32, #tpu.memory_space<hbm>> -> memref<1x24x512xi32, #tpu.memory_space<hbm>>
      %dma_start3A_29 = tpu.memref_squeeze %dma_start3A_28 : memref<1x24x512xi32, #tpu.memory_space<hbm>> -> memref<24x512xi32, #tpu.memory_space<hbm>>
      %dma_start3A_30 = arith.constant 0 : i32
      %dma_start3A_31 = arith.constant 0 : i32
      %dma_start3A_32 = tpu.memref_slice %arg3[%arg0, %dma_start3A_30, %dma_start3A_31] : memref<2x24x512xi32, #tpu.memory_space<hbm>> -> memref<1x24x512xi32, #tpu.memory_space<hbm>>
      %dma_start3A_33 = tpu.memref_squeeze %dma_start3A_32 : memref<1x24x512xi32, #tpu.memory_space<hbm>> -> memref<24x512xi32, #tpu.memory_space<hbm>>
      tpu.enqueue_dma source(%dma_start3A_33 : memref<24x512xi32, #tpu.memory_space<hbm>>) target(%arg6 : memref<24x512xi32, #tpu.memory_space<vmem>>) target_semaphore(%run_scoped3A : memref<!tpu.dma_semaphore, #tpu.memory_space<semaphore_mem>>)
      %dma_wait3A_34 = arith.constant 0 : i32
      %dma_wait3A_35 = arith.constant 0 : i32
      %dma_wait3A_36 = tpu.memref_slice %arg3[%arg0, %dma_wait3A_34, %dma_wait3A_35] : memref<2x24x512xi32, #tpu.memory_space<hbm>> -> memref<1x24x512xi32, #tpu.memory_space<hbm>>
      %dma_wait3A_37 = tpu.memref_squeeze %dma_wait3A_36 : memref<1x24x512xi32, #tpu.memory_space<hbm>> -> memref<24x512xi32, #tpu.memory_space<hbm>>
      %dma_wait3A_38 = arith.constant 0 : i32
      %dma_wait3A_39 = arith.constant 0 : i32
      %dma_wait3A_40 = tpu.memref_slice %arg3[%arg0, %dma_wait3A_38, %dma_wait3A_39] : memref<2x24x512xi32, #tpu.memory_space<hbm>> -> memref<1x24x512xi32, #tpu.memory_space<hbm>>
      %dma_wait3A_41 = tpu.memref_squeeze %dma_wait3A_40 : memref<1x24x512xi32, #tpu.memory_space<hbm>> -> memref<24x512xi32, #tpu.memory_space<hbm>>
      tpu.wait_dma2 semaphore(%run_scoped3A : memref<!tpu.dma_semaphore, #tpu.memory_space<semaphore_mem>>) src(%dma_wait3A_41 : memref<24x512xi32, #tpu.memory_space<hbm>>) dst(%arg6 : memref<24x512xi32, #tpu.memory_space<vmem>>)
      tpu.yield
    }) : () -> ()
    %mul3A = arith.constant 36 : i32
    %mul3A_0 = arith.muli %arg1, %mul3A : i32
    %scan3A = arith.constant 0 : i32
    %scan3A_1 = arith.constant 0 : i32
    %scan3A_2 = arith.constant 36 : i32
    %scan3A_3 = arith.addi %scan3A_1, %scan3A_2 : i32
    %scan3A_4 = arith.constant 1 : i32
    scf.for %scan3A_27 = %scan3A_1 to %scan3A_3 step %scan3A_4  : i32 {
      %add3A = arith.addi %mul3A_0, %scan3A_27 : i32
      %jit3A = arith.constant 24 : i32
      %div3A = arith.divsi %add3A, %jit3A : i32
      %sign3A = arith.constant 0 : i32
      %sign3A_28 = arith.cmpi sgt, %add3A, %sign3A : i32
      %sign3A_29 = arith.extui %sign3A_28 : i1 to i32
      %sign3A_30 = arith.constant 0 : i32
      %sign3A_31 = arith.cmpi slt, %add3A, %sign3A_30 : i32
      %sign3A_32 = arith.extui %sign3A_31 : i1 to i32
      %sign3A_33 = arith.subi %sign3A_29, %sign3A_32 : i32
      %sign3A_34 = arith.constant 0 : i32
      %sign3A_35 = arith.cmpi sgt, %jit3A, %sign3A_34 : i32
      %sign3A_36 = arith.extui %sign3A_35 : i1 to i32
      %sign3A_37 = arith.constant 0 : i32
      %sign3A_38 = arith.cmpi slt, %jit3A, %sign3A_37 : i32
      %sign3A_39 = arith.extui %sign3A_38 : i1 to i32
      %sign3A_40 = arith.subi %sign3A_36, %sign3A_39 : i32
      %ne3A = arith.cmpi ne, %sign3A_33, %sign3A_40 : i32
      %rem3A = arith.remsi %add3A, %jit3A : i32
      %ne3A_41 = arith.constant 0 : i32
      %ne3A_42 = arith.cmpi ne, %rem3A, %ne3A_41 : i32
      %and3A = arith.andi %ne3A, %ne3A_42 : i1
      %sub3A = arith.constant 1 : i32
      %sub3A_43 = arith.subi %div3A, %sub3A : i32
      %select_n3A = arith.select %and3A, %sub3A_43, %div3A : i32
      %mul3A_44 = arith.constant 24 : i32
      %mul3A_45 = arith.muli %select_n3A, %mul3A_44 : i32
      %sub3A_46 = arith.subi %add3A, %mul3A_45 : i32
      %scan3A_47 = arith.constant 0 : i32
      %scan3A_48 = arith.constant 0 : i32
      %scan3A_49 = arith.constant 32 : i32
      %scan3A_50 = arith.addi %scan3A_48, %scan3A_49 : i32
      %scan3A_51 = arith.constant 1 : i32
      scf.for %scan3A_87 = %scan3A_48 to %scan3A_50 step %scan3A_51  : i32 {
        %mul3A_88 = arith.constant 16 : i32
        %mul3A_89 = arith.muli %scan3A_87, %mul3A_88 : i32
        %iota3A = tpu.iota {dimensions = array<i32: 0>} : vector<16xi32>
        %add3A_90 = vector.broadcast %mul3A_89 : i32 to vector<16xi32>
        %add3A_91 = arith.addi %add3A_90, %iota3A : vector<16xi32>
        %broadcast_in_dim3A = arith.constant 0 : i32
        %broadcast_in_dim3A_92 = vector.broadcast %broadcast_in_dim3A : i32 to vector<16xi32>
        %add3A_93 = vector.broadcast %select_n3A : i32 to vector<16xi32>
        %add3A_94 = arith.addi %broadcast_in_dim3A_92, %add3A_93 : vector<16xi32>
        %broadcast_in_dim3A_95 = arith.constant 0 : i32
        %broadcast_in_dim3A_96 = vector.broadcast %broadcast_in_dim3A_95 : i32 to vector<16xi32>
        %add3A_97 = vector.broadcast %sub3A_46 : i32 to vector<16xi32>
        %add3A_98 = arith.addi %broadcast_in_dim3A_96, %add3A_97 : vector<16xi32>
        %gather3A = tpu.vector_load_idx %arg6[%add3A_94, %add3A_91] : memref<24x512xi32, #tpu.memory_space<vmem>>[vector<16xi32>, vector<16xi32>], vector<16xi32>,
        %gather3A_99 = tpu.vector_load_idx %arg6[%add3A_98, %gather3A] : memref<24x512xi32, #tpu.memory_space<vmem>>[vector<16xi32>, vector<16xi32>], vector<16xi32>,
        %mul3A_100 = arith.constant 16 : i32
        %mul3A_101 = arith.muli %scan3A_87, %mul3A_100 : i32
        %swap3A = arith.index_cast %mul3A_101 : i32 to index
        %swap3A_102 = tpu.vector_load %arg7[%swap3A] {strides = array<i32>} : memref<512xi32, #tpu.memory_space<vmem>>, vector<16xi32>,
        tpu.vector_store %arg7[%swap3A], %gather3A_99 {strides = array<i32>} : memref<512xi32, #tpu.memory_space<vmem>>, vector<16xi32>,
      }
      %scan3A_52 = arith.constant 32 : i32
      %gt3A = arith.constant 0 : i32
      %gt3A_53 = arith.cmpi sgt, %scan3A_27, %gt3A : i32
      %convert_element_type3A = arith.extui %gt3A_53 : i1 to i32
      %cond3A = arith.constant 0 : i32
      %cond3A_54 = arith.cmpi ne, %convert_element_type3A, %cond3A : i32
      scf.if %cond3A_54 {
        %dma_wait3A_87 = arith.constant 0 : i32
        %dma_wait3A_88 = arith.constant 0 : i32
        %dma_wait3A_89 = arith.constant 0 : i32
        %dma_wait3A_90 = arith.constant 0 : i32
        %dma_wait3A_91 = arith.constant 0 : i32
        %dma_wait3A_92 = tpu.memref_slice %arg4[%dma_wait3A_87, %dma_wait3A_88, %dma_wait3A_89, %dma_wait3A_90, %dma_wait3A_91] : memref<2x24x24x64x512xf32, #tpu.memory_space<hbm>> -> memref<1x1x1x32x512xf32, #tpu.memory_space<hbm>>
        %dma_wait3A_93 = tpu.memref_squeeze %dma_wait3A_92 : memref<1x1x1x32x512xf32, #tpu.memory_space<hbm>> -> memref<32x512xf32, #tpu.memory_space<hbm>>
        %dma_wait3A_94 = arith.constant 0 : i32
        %dma_wait3A_95 = arith.constant 0 : i32
        %dma_wait3A_96 = tpu.memref_slice %arg4[%dma_wait3A_87, %dma_wait3A_88, %dma_wait3A_89, %dma_wait3A_94, %dma_wait3A_95] : memref<2x24x24x64x512xf32, #tpu.memory_space<hbm>> -> memref<1x1x1x32x512xf32, #tpu.memory_space<hbm>>
        %dma_wait3A_97 = tpu.memref_squeeze %dma_wait3A_96 : memref<1x1x1x32x512xf32, #tpu.memory_space<hbm>> -> memref<32x512xf32, #tpu.memory_space<hbm>>
        tpu.wait_dma2 semaphore(%arg10 : memref<!tpu.dma_semaphore, #tpu.memory_space<semaphore_mem>>) src(%dma_wait3A_97 : memref<32x512xf32, #tpu.memory_space<hbm>>) dst(%arg8 : memref<32x512xf32, #tpu.memory_space<vmem>>)
      } else {
      }
      %scan3A_55 = arith.constant 0 : i32
      %scan3A_56 = arith.constant 0 : i32
      %scan3A_57 = arith.constant 32 : i32
      %scan3A_58 = arith.addi %scan3A_56, %scan3A_57 : i32
      %scan3A_59 = arith.constant 1 : i32
      scf.for %scan3A_87 = %scan3A_56 to %scan3A_58 step %scan3A_59  : i32 {
        %mul3A_88 = arith.constant 16 : i32
        %mul3A_89 = arith.muli %scan3A_87, %mul3A_88 : i32
        %get3A = arith.index_cast %mul3A_89 : i32 to index
        %get3A_90 = tpu.vector_load %arg7[%get3A] {strides = array<i32>} : memref<512xi32, #tpu.memory_space<vmem>>, vector<16xi32>,
        %broadcast_in_dim3A = arith.constant 0 : i32
        %broadcast_in_dim3A_91 = vector.broadcast %broadcast_in_dim3A : i32 to vector<16xi32>
        %gather3A = tpu.vector_load_idx %arg5[%broadcast_in_dim3A_91, %get3A_90] : memref<64x512xf32, #tpu.memory_space<vmem>>[vector<16xi32>, vector<16xi32>], vector<16xf32>,
        %broadcast_in_dim3A_92 = arith.constant 1 : i32
        %broadcast_in_dim3A_93 = vector.broadcast %broadcast_in_dim3A_92 : i32 to vector<16xi32>
        %gather3A_94 = tpu.vector_load_idx %arg5[%broadcast_in_dim3A_93, %get3A_90] : memref<64x512xf32, #tpu.memory_space<vmem>>[vector<16xi32>, vector<16xi32>], vector<16xf32>,
        %broadcast_in_dim3A_95 = arith.constant 2 : i32
        %broadcast_in_dim3A_96 = vector.broadcast %broadcast_in_dim3A_95 : i32 to vector<16xi32>
        %gather3A_97 = tpu.vector_load_idx %arg5[%broadcast_in_dim3A_96, %get3A_90] : memref<64x512xf32, #tpu.memory_space<vmem>>[vector<16xi32>, vector<16xi32>], vector<16xf32>,
        %broadcast_in_dim3A_98 = arith.constant 3 : i32
        %broadcast_in_dim3A_99 = vector.broadcast %broadcast_in_dim3A_98 : i32 to vector<16xi32>
        %gather3A_100 = tpu.vector_load_idx %arg5[%broadcast_in_dim3A_99, %get3A_90] : memref<64x512xf32, #tpu.memory_space<vmem>>[vector<16xi32>, vector<16xi32>], vector<16xf32>,
        %broadcast_in_dim3A_101 = arith.constant 4 : i32
        %broadcast_in_dim3A_102 = vector.broadcast %broadcast_in_dim3A_101 : i32 to vector<16xi32>
        %gather3A_103 = tpu.vector_load_idx %arg5[%broadcast_in_dim3A_102, %get3A_90] : memref<64x512xf32, #tpu.memory_space<vmem>>[vector<16xi32>, vector<16xi32>], vector<16xf32>,
        %broadcast_in_dim3A_104 = arith.constant 5 : i32
        %broadcast_in_dim3A_105 = vector.broadcast %broadcast_in_dim3A_104 : i32 to vector<16xi32>
        %gather3A_106 = tpu.vector_load_idx %arg5[%broadcast_in_dim3A_105, %get3A_90] : memref<64x512xf32, #tpu.memory_space<vmem>>[vector<16xi32>, vector<16xi32>], vector<16xf32>,
        %broadcast_in_dim3A_107 = arith.constant 6 : i32
        %broadcast_in_dim3A_108 = vector.broadcast %broadcast_in_dim3A_107 : i32 to vector<16xi32>
        %gather3A_109 = tpu.vector_load_idx %arg5[%broadcast_in_dim3A_108, %get3A_90] : memref<64x512xf32, #tpu.memory_space<vmem>>[vector<16xi32>, vector<16xi32>], vector<16xf32>,
        %broadcast_in_dim3A_110 = arith.constant 7 : i32
        %broadcast_in_dim3A_111 = vector.broadcast %broadcast_in_dim3A_110 : i32 to vector<16xi32>
        %gather3A_112 = tpu.vector_load_idx %arg5[%broadcast_in_dim3A_111, %get3A_90] : memref<64x512xf32, #tpu.memory_space<vmem>>[vector<16xi32>, vector<16xi32>], vector<16xf32>,
        %mul3A_113 = arith.constant 16 : i32
        %mul3A_114 = arith.muli %scan3A_87, %mul3A_113 : i32
        %swap3A = arith.constant 0 : i32
        %swap3A_115 = arith.index_cast %swap3A : i32 to index
        %swap3A_116 = arith.index_cast %mul3A_114 : i32 to index
        %swap3A_117 = tpu.vector_load %arg8[%swap3A_115, %swap3A_116] {strides = array<i32>} : memref<32x512xf32, #tpu.memory_space<vmem>>, vector<16xf32>,
        tpu.vector_store %arg8[%swap3A_115, %swap3A_116], %gather3A {strides = array<i32>} : memref<32x512xf32, #tpu.memory_space<vmem>>, vector<16xf32>,
        %mul3A_118 = arith.constant 16 : i32
        %mul3A_119 = arith.muli %scan3A_87, %mul3A_118 : i32
        %swap3A_120 = arith.constant 1 : i32
        %swap3A_121 = arith.index_cast %swap3A_120 : i32 to index
        %swap3A_122 = arith.index_cast %mul3A_119 : i32 to index
        %swap3A_123 = tpu.vector_load %arg8[%swap3A_121, %swap3A_122] {strides = array<i32>} : memref<32x512xf32, #tpu.memory_space<vmem>>, vector<16xf32>,
        tpu.vector_store %arg8[%swap3A_121, %swap3A_122], %gather3A_94 {strides = array<i32>} : memref<32x512xf32, #tpu.memory_space<vmem>>, vector<16xf32>,
        %mul3A_124 = arith.constant 16 : i32
        %mul3A_125 = arith.muli %scan3A_87, %mul3A_124 : i32
        %swap3A_126 = arith.constant 2 : i32
        %swap3A_127 = arith.index_cast %swap3A_126 : i32 to index
        %swap3A_128 = arith.index_cast %mul3A_125 : i32 to index
        %swap3A_129 = tpu.vector_load %arg8[%swap3A_127, %swap3A_128] {strides = array<i32>} : memref<32x512xf32, #tpu.memory_space<vmem>>, vector<16xf32>,
        tpu.vector_store %arg8[%swap3A_127, %swap3A_128], %gather3A_97 {strides = array<i32>} : memref<32x512xf32, #tpu.memory_space<vmem>>, vector<16xf32>,
        %mul3A_130 = arith.constant 16 : i32
        %mul3A_131 = arith.muli %scan3A_87, %mul3A_130 : i32
        %swap3A_132 = arith.constant 3 : i32
        %swap3A_133 = arith.index_cast %swap3A_132 : i32 to index
        %swap3A_134 = arith.index_cast %mul3A_131 : i32 to index
        %swap3A_135 = tpu.vector_load %arg8[%swap3A_133, %swap3A_134] {strides = array<i32>} : memref<32x512xf32, #tpu.memory_space<vmem>>, vector<16xf32>,
        tpu.vector_store %arg8[%swap3A_133, %swap3A_134], %gather3A_100 {strides = array<i32>} : memref<32x512xf32, #tpu.memory_space<vmem>>, vector<16xf32>,
        %mul3A_136 = arith.constant 16 : i32
        %mul3A_137 = arith.muli %scan3A_87, %mul3A_136 : i32
        %swap3A_138 = arith.constant 4 : i32
        %swap3A_139 = arith.index_cast %swap3A_138 : i32 to index
        %swap3A_140 = arith.index_cast %mul3A_137 : i32 to index
        %swap3A_141 = tpu.vector_load %arg8[%swap3A_139, %swap3A_140] {strides = array<i32>} : memref<32x512xf32, #tpu.memory_space<vmem>>, vector<16xf32>,
        tpu.vector_store %arg8[%swap3A_139, %swap3A_140], %gather3A_103 {strides = array<i32>} : memref<32x512xf32, #tpu.memory_space<vmem>>, vector<16xf32>,
        %mul3A_142 = arith.constant 16 : i32
        %mul3A_143 = arith.muli %scan3A_87, %mul3A_142 : i32
        %swap3A_144 = arith.constant 5 : i32
        %swap3A_145 = arith.index_cast %swap3A_144 : i32 to index
        %swap3A_146 = arith.index_cast %mul3A_143 : i32 to index
        %swap3A_147 = tpu.vector_load %arg8[%swap3A_145, %swap3A_146] {strides = array<i32>} : memref<32x512xf32, #tpu.memory_space<vmem>>, vector<16xf32>,
        tpu.vector_store %arg8[%swap3A_145, %swap3A_146], %gather3A_106 {strides = array<i32>} : memref<32x512xf32, #tpu.memory_space<vmem>>, vector<16xf32>,
        %mul3A_148 = arith.constant 16 : i32
        %mul3A_149 = arith.muli %scan3A_87, %mul3A_148 : i32
        %swap3A_150 = arith.constant 6 : i32
        %swap3A_151 = arith.index_cast %swap3A_150 : i32 to index
        %swap3A_152 = arith.index_cast %mul3A_149 : i32 to index
        %swap3A_153 = tpu.vector_load %arg8[%swap3A_151, %swap3A_152] {strides = array<i32>} : memref<32x512xf32, #tpu.memory_space<vmem>>, vector<16xf32>,
        tpu.vector_store %arg8[%swap3A_151, %swap3A_152], %gather3A_109 {strides = array<i32>} : memref<32x512xf32, #tpu.memory_space<vmem>>, vector<16xf32>,
        %mul3A_154 = arith.constant 16 : i32
        %mul3A_155 = arith.muli %scan3A_87, %mul3A_154 : i32
        %swap3A_156 = arith.constant 7 : i32
        %swap3A_157 = arith.index_cast %swap3A_156 : i32 to index
        %swap3A_158 = arith.index_cast %mul3A_155 : i32 to index
        %swap3A_159 = tpu.vector_load %arg8[%swap3A_157, %swap3A_158] {strides = array<i32>} : memref<32x512xf32, #tpu.memory_space<vmem>>, vector<16xf32>,
        tpu.vector_store %arg8[%swap3A_157, %swap3A_158], %gather3A_112 {strides = array<i32>} : memref<32x512xf32, #tpu.memory_space<vmem>>, vector<16xf32>,
        %broadcast_in_dim3A_160 = arith.constant 8 : i32
        %broadcast_in_dim3A_161 = vector.broadcast %broadcast_in_dim3A_160 : i32 to vector<16xi32>
        %gather3A_162 = tpu.vector_load_idx %arg5[%broadcast_in_dim3A_161, %get3A_90] : memref<64x512xf32, #tpu.memory_space<vmem>>[vector<16xi32>, vector<16xi32>], vector<16xf32>,
        %broadcast_in_dim3A_163 = arith.constant 9 : i32
        %broadcast_in_dim3A_164 = vector.broadcast %broadcast_in_dim3A_163 : i32 to vector<16xi32>
        %gather3A_165 = tpu.vector_load_idx %arg5[%broadcast_in_dim3A_164, %get3A_90] : memref<64x512xf32, #tpu.memory_space<vmem>>[vector<16xi32>, vector<16xi32>], vector<16xf32>,
        %broadcast_in_dim3A_166 = arith.constant 10 : i32
        %broadcast_in_dim3A_167 = vector.broadcast %broadcast_in_dim3A_166 : i32 to vector<16xi32>
        %gather3A_168 = tpu.vector_load_idx %arg5[%broadcast_in_dim3A_167, %get3A_90] : memref<64x512xf32, #tpu.memory_space<vmem>>[vector<16xi32>, vector<16xi32>], vector<16xf32>,
        %broadcast_in_dim3A_169 = arith.constant 11 : i32
        %broadcast_in_dim3A_170 = vector.broadcast %broadcast_in_dim3A_169 : i32 to vector<16xi32>
        %gather3A_171 = tpu.vector_load_idx %arg5[%broadcast_in_dim3A_170, %get3A_90] : memref<64x512xf32, #tpu.memory_space<vmem>>[vector<16xi32>, vector<16xi32>], vector<16xf32>,
        %broadcast_in_dim3A_172 = arith.constant 12 : i32
        %broadcast_in_dim3A_173 = vector.broadcast %broadcast_in_dim3A_172 : i32 to vector<16xi32>
        %gather3A_174 = tpu.vector_load_idx %arg5[%broadcast_in_dim3A_173, %get3A_90] : memref<64x512xf32, #tpu.memory_space<vmem>>[vector<16xi32>, vector<16xi32>], vector<16xf32>,
        %broadcast_in_dim3A_175 = arith.constant 13 : i32
        %broadcast_in_dim3A_176 = vector.broadcast %broadcast_in_dim3A_175 : i32 to vector<16xi32>
        %gather3A_177 = tpu.vector_load_idx %arg5[%broadcast_in_dim3A_176, %get3A_90] : memref<64x512xf32, #tpu.memory_space<vmem>>[vector<16xi32>, vector<16xi32>], vector<16xf32>,
        %broadcast_in_dim3A_178 = arith.constant 14 : i32
        %broadcast_in_dim3A_179 = vector.broadcast %broadcast_in_dim3A_178 : i32 to vector<16xi32>
        %gather3A_180 = tpu.vector_load_idx %arg5[%broadcast_in_dim3A_179, %get3A_90] : memref<64x512xf32, #tpu.memory_space<vmem>>[vector<16xi32>, vector<16xi32>], vector<16xf32>,
        %broadcast_in_dim3A_181 = arith.constant 15 : i32
        %broadcast_in_dim3A_182 = vector.broadcast %broadcast_in_dim3A_181 : i32 to vector<16xi32>
        %gather3A_183 = tpu.vector_load_idx %arg5[%broadcast_in_dim3A_182, %get3A_90] : memref<64x512xf32, #tpu.memory_space<vmem>>[vector<16xi32>, vector<16xi32>], vector<16xf32>,
        %mul3A_184 = arith.constant 16 : i32
        %mul3A_185 = arith.muli %scan3A_87, %mul3A_184 : i32
        %swap3A_186 = arith.constant 8 : i32
        %swap3A_187 = arith.index_cast %swap3A_186 : i32 to index
        %swap3A_188 = arith.index_cast %mul3A_185 : i32 to index
        %swap3A_189 = tpu.vector_load %arg8[%swap3A_187, %swap3A_188] {strides = array<i32>} : memref<32x512xf32, #tpu.memory_space<vmem>>, vector<16xf32>,
        tpu.vector_store %arg8[%swap3A_187, %swap3A_188], %gather3A_162 {strides = array<i32>} : memref<32x512xf32, #tpu.memory_space<vmem>>, vector<16xf32>,
        %mul3A_190 = arith.constant 16 : i32
        %mul3A_191 = arith.muli %scan3A_87, %mul3A_190 : i32
        %swap3A_192 = arith.constant 9 : i32
        %swap3A_193 = arith.index_cast %swap3A_192 : i32 to index
        %swap3A_194 = arith.index_cast %mul3A_191 : i32 to index
        %swap3A_195 = tpu.vector_load %arg8[%swap3A_193, %swap3A_194] {strides = array<i32>} : memref<32x512xf32, #tpu.memory_space<vmem>>, vector<16xf32>,
        tpu.vector_store %arg8[%swap3A_193, %swap3A_194], %gather3A_165 {strides = array<i32>} : memref<32x512xf32, #tpu.memory_space<vmem>>, vector<16xf32>,
        %mul3A_196 = arith.constant 16 : i32
        %mul3A_197 = arith.muli %scan3A_87, %mul3A_196 : i32
        %swap3A_198 = arith.constant 10 : i32
        %swap3A_199 = arith.index_cast %swap3A_198 : i32 to index
        %swap3A_200 = arith.index_cast %mul3A_197 : i32 to index
        %swap3A_201 = tpu.vector_load %arg8[%swap3A_199, %swap3A_200] {strides = array<i32>} : memref<32x512xf32, #tpu.memory_space<vmem>>, vector<16xf32>,
        tpu.vector_store %arg8[%swap3A_199, %swap3A_200], %gather3A_168 {strides = array<i32>} : memref<32x512xf32, #tpu.memory_space<vmem>>, vector<16xf32>,
        %mul3A_202 = arith.constant 16 : i32
        %mul3A_203 = arith.muli %scan3A_87, %mul3A_202 : i32
        %swap3A_204 = arith.constant 11 : i32
        %swap3A_205 = arith.index_cast %swap3A_204 : i32 to index
        %swap3A_206 = arith.index_cast %mul3A_203 : i32 to index
        %swap3A_207 = tpu.vector_load %arg8[%swap3A_205, %swap3A_206] {strides = array<i32>} : memref<32x512xf32, #tpu.memory_space<vmem>>, vector<16xf32>,
        tpu.vector_store %arg8[%swap3A_205, %swap3A_206], %gather3A_171 {strides = array<i32>} : memref<32x512xf32, #tpu.memory_space<vmem>>, vector<16xf32>,
        %mul3A_208 = arith.constant 16 : i32
        %mul3A_209 = arith.muli %scan3A_87, %mul3A_208 : i32
        %swap3A_210 = arith.constant 12 : i32
        %swap3A_211 = arith.index_cast %swap3A_210 : i32 to index
        %swap3A_212 = arith.index_cast %mul3A_209 : i32 to index
        %swap3A_213 = tpu.vector_load %arg8[%swap3A_211, %swap3A_212] {strides = array<i32>} : memref<32x512xf32, #tpu.memory_space<vmem>>, vector<16xf32>,
        tpu.vector_store %arg8[%swap3A_211, %swap3A_212], %gather3A_174 {strides = array<i32>} : memref<32x512xf32, #tpu.memory_space<vmem>>, vector<16xf32>,
        %mul3A_214 = arith.constant 16 : i32
        %mul3A_215 = arith.muli %scan3A_87, %mul3A_214 : i32
        %swap3A_216 = arith.constant 13 : i32
        %swap3A_217 = arith.index_cast %swap3A_216 : i32 to index
        %swap3A_218 = arith.index_cast %mul3A_215 : i32 to index
        %swap3A_219 = tpu.vector_load %arg8[%swap3A_217, %swap3A_218] {strides = array<i32>} : memref<32x512xf32, #tpu.memory_space<vmem>>, vector<16xf32>,
        tpu.vector_store %arg8[%swap3A_217, %swap3A_218], %gather3A_177 {strides = array<i32>} : memref<32x512xf32, #tpu.memory_space<vmem>>, vector<16xf32>,
        %mul3A_220 = arith.constant 16 : i32
        %mul3A_221 = arith.muli %scan3A_87, %mul3A_220 : i32
        %swap3A_222 = arith.constant 14 : i32
        %swap3A_223 = arith.index_cast %swap3A_222 : i32 to index
        %swap3A_224 = arith.index_cast %mul3A_221 : i32 to index
        %swap3A_225 = tpu.vector_load %arg8[%swap3A_223, %swap3A_224] {strides = array<i32>} : memref<32x512xf32, #tpu.memory_space<vmem>>, vector<16xf32>,
        tpu.vector_store %arg8[%swap3A_223, %swap3A_224], %gather3A_180 {strides = array<i32>} : memref<32x512xf32, #tpu.memory_space<vmem>>, vector<16xf32>,
        %mul3A_226 = arith.constant 16 : i32
        %mul3A_227 = arith.muli %scan3A_87, %mul3A_226 : i32
        %swap3A_228 = arith.constant 15 : i32
        %swap3A_229 = arith.index_cast %swap3A_228 : i32 to index
        %swap3A_230 = arith.index_cast %mul3A_227 : i32 to index
        %swap3A_231 = tpu.vector_load %arg8[%swap3A_229, %swap3A_230] {strides = array<i32>} : memref<32x512xf32, #tpu.memory_space<vmem>>, vector<16xf32>,
        tpu.vector_store %arg8[%swap3A_229, %swap3A_230], %gather3A_183 {strides = array<i32>} : memref<32x512xf32, #tpu.memory_space<vmem>>, vector<16xf32>,
        %broadcast_in_dim3A_232 = arith.constant 16 : i32
        %broadcast_in_dim3A_233 = vector.broadcast %broadcast_in_dim3A_232 : i32 to vector<16xi32>
        %gather3A_234 = tpu.vector_load_idx %arg5[%broadcast_in_dim3A_233, %get3A_90] : memref<64x512xf32, #tpu.memory_space<vmem>>[vector<16xi32>, vector<16xi32>], vector<16xf32>,
        %broadcast_in_dim3A_235 = arith.constant 17 : i32
        %broadcast_in_dim3A_236 = vector.broadcast %broadcast_in_dim3A_235 : i32 to vector<16xi32>
        %gather3A_237 = tpu.vector_load_idx %arg5[%broadcast_in_dim3A_236, %get3A_90] : memref<64x512xf32, #tpu.memory_space<vmem>>[vector<16xi32>, vector<16xi32>], vector<16xf32>,
        %broadcast_in_dim3A_238 = arith.constant 18 : i32
        %broadcast_in_dim3A_239 = vector.broadcast %broadcast_in_dim3A_238 : i32 to vector<16xi32>
        %gather3A_240 = tpu.vector_load_idx %arg5[%broadcast_in_dim3A_239, %get3A_90] : memref<64x512xf32, #tpu.memory_space<vmem>>[vector<16xi32>, vector<16xi32>], vector<16xf32>,
        %broadcast_in_dim3A_241 = arith.constant 19 : i32
        %broadcast_in_dim3A_242 = vector.broadcast %broadcast_in_dim3A_241 : i32 to vector<16xi32>
        %gather3A_243 = tpu.vector_load_idx %arg5[%broadcast_in_dim3A_242, %get3A_90] : memref<64x512xf32, #tpu.memory_space<vmem>>[vector<16xi32>, vector<16xi32>], vector<16xf32>,
        %broadcast_in_dim3A_244 = arith.constant 20 : i32
        %broadcast_in_dim3A_245 = vector.broadcast %broadcast_in_dim3A_244 : i32 to vector<16xi32>
        %gather3A_246 = tpu.vector_load_idx %arg5[%broadcast_in_dim3A_245, %get3A_90] : memref<64x512xf32, #tpu.memory_space<vmem>>[vector<16xi32>, vector<16xi32>], vector<16xf32>,
        %broadcast_in_dim3A_247 = arith.constant 21 : i32
        %broadcast_in_dim3A_248 = vector.broadcast %broadcast_in_dim3A_247 : i32 to vector<16xi32>
        %gather3A_249 = tpu.vector_load_idx %arg5[%broadcast_in_dim3A_248, %get3A_90] : memref<64x512xf32, #tpu.memory_space<vmem>>[vector<16xi32>, vector<16xi32>], vector<16xf32>,
        %broadcast_in_dim3A_250 = arith.constant 22 : i32
        %broadcast_in_dim3A_251 = vector.broadcast %broadcast_in_dim3A_250 : i32 to vector<16xi32>
        %gather3A_252 = tpu.vector_load_idx %arg5[%broadcast_in_dim3A_251, %get3A_90] : memref<64x512xf32, #tpu.memory_space<vmem>>[vector<16xi32>, vector<16xi32>], vector<16xf32>,
        %broadcast_in_dim3A_253 = arith.constant 23 : i32
        %broadcast_in_dim3A_254 = vector.broadcast %broadcast_in_dim3A_253 : i32 to vector<16xi32>
        %gather3A_255 = tpu.vector_load_idx %arg5[%broadcast_in_dim3A_254, %get3A_90] : memref<64x512xf32, #tpu.memory_space<vmem>>[vector<16xi32>, vector<16xi32>], vector<16xf32>,
        %mul3A_256 = arith.constant 16 : i32
        %mul3A_257 = arith.muli %scan3A_87, %mul3A_256 : i32
        %swap3A_258 = arith.constant 16 : i32
        %swap3A_259 = arith.index_cast %swap3A_258 : i32 to index
        %swap3A_260 = arith.index_cast %mul3A_257 : i32 to index
        %swap3A_261 = tpu.vector_load %arg8[%swap3A_259, %swap3A_260] {strides = array<i32>} : memref<32x512xf32, #tpu.memory_space<vmem>>, vector<16xf32>,
        tpu.vector_store %arg8[%swap3A_259, %swap3A_260], %gather3A_234 {strides = array<i32>} : memref<32x512xf32, #tpu.memory_space<vmem>>, vector<16xf32>,
        %mul3A_262 = arith.constant 16 : i32
        %mul3A_263 = arith.muli %scan3A_87, %mul3A_262 : i32
        %swap3A_264 = arith.constant 17 : i32
        %swap3A_265 = arith.index_cast %swap3A_264 : i32 to index
        %swap3A_266 = arith.index_cast %mul3A_263 : i32 to index
        %swap3A_267 = tpu.vector_load %arg8[%swap3A_265, %swap3A_266] {strides = array<i32>} : memref<32x512xf32, #tpu.memory_space<vmem>>, vector<16xf32>,
        tpu.vector_store %arg8[%swap3A_265, %swap3A_266], %gather3A_237 {strides = array<i32>} : memref<32x512xf32, #tpu.memory_space<vmem>>, vector<16xf32>,
        %mul3A_268 = arith.constant 16 : i32
        %mul3A_269 = arith.muli %scan3A_87, %mul3A_268 : i32
        %swap3A_270 = arith.constant 18 : i32
        %swap3A_271 = arith.index_cast %swap3A_270 : i32 to index
        %swap3A_272 = arith.index_cast %mul3A_269 : i32 to index
        %swap3A_273 = tpu.vector_load %arg8[%swap3A_271, %swap3A_272] {strides = array<i32>} : memref<32x512xf32, #tpu.memory_space<vmem>>, vector<16xf32>,
        tpu.vector_store %arg8[%swap3A_271, %swap3A_272], %gather3A_240 {strides = array<i32>} : memref<32x512xf32, #tpu.memory_space<vmem>>, vector<16xf32>,
        %mul3A_274 = arith.constant 16 : i32
        %mul3A_275 = arith.muli %scan3A_87, %mul3A_274 : i32
        %swap3A_276 = arith.constant 19 : i32
        %swap3A_277 = arith.index_cast %swap3A_276 : i32 to index
        %swap3A_278 = arith.index_cast %mul3A_275 : i32 to index
        %swap3A_279 = tpu.vector_load %arg8[%swap3A_277, %swap3A_278] {strides = array<i32>} : memref<32x512xf32, #tpu.memory_space<vmem>>, vector<16xf32>,
        tpu.vector_store %arg8[%swap3A_277, %swap3A_278], %gather3A_243 {strides = array<i32>} : memref<32x512xf32, #tpu.memory_space<vmem>>, vector<16xf32>,
        %mul3A_280 = arith.constant 16 : i32
        %mul3A_281 = arith.muli %scan3A_87, %mul3A_280 : i32
        %swap3A_282 = arith.constant 20 : i32
        %swap3A_283 = arith.index_cast %swap3A_282 : i32 to index
        %swap3A_284 = arith.index_cast %mul3A_281 : i32 to index
        %swap3A_285 = tpu.vector_load %arg8[%swap3A_283, %swap3A_284] {strides = array<i32>} : memref<32x512xf32, #tpu.memory_space<vmem>>, vector<16xf32>,
        tpu.vector_store %arg8[%swap3A_283, %swap3A_284], %gather3A_246 {strides = array<i32>} : memref<32x512xf32, #tpu.memory_space<vmem>>, vector<16xf32>,
        %mul3A_286 = arith.constant 16 : i32
        %mul3A_287 = arith.muli %scan3A_87, %mul3A_286 : i32
        %swap3A_288 = arith.constant 21 : i32
        %swap3A_289 = arith.index_cast %swap3A_288 : i32 to index
        %swap3A_290 = arith.index_cast %mul3A_287 : i32 to index
        %swap3A_291 = tpu.vector_load %arg8[%swap3A_289, %swap3A_290] {strides = array<i32>} : memref<32x512xf32, #tpu.memory_space<vmem>>, vector<16xf32>,
        tpu.vector_store %arg8[%swap3A_289, %swap3A_290], %gather3A_249 {strides = array<i32>} : memref<32x512xf32, #tpu.memory_space<vmem>>, vector<16xf32>,
        %mul3A_292 = arith.constant 16 : i32
        %mul3A_293 = arith.muli %scan3A_87, %mul3A_292 : i32
        %swap3A_294 = arith.constant 22 : i32
        %swap3A_295 = arith.index_cast %swap3A_294 : i32 to index
        %swap3A_296 = arith.index_cast %mul3A_293 : i32 to index
        %swap3A_297 = tpu.vector_load %arg8[%swap3A_295, %swap3A_296] {strides = array<i32>} : memref<32x512xf32, #tpu.memory_space<vmem>>, vector<16xf32>,
        tpu.vector_store %arg8[%swap3A_295, %swap3A_296], %gather3A_252 {strides = array<i32>} : memref<32x512xf32, #tpu.memory_space<vmem>>, vector<16xf32>,
        %mul3A_298 = arith.constant 16 : i32
        %mul3A_299 = arith.muli %scan3A_87, %mul3A_298 : i32
        %swap3A_300 = arith.constant 23 : i32
        %swap3A_301 = arith.index_cast %swap3A_300 : i32 to index
        %swap3A_302 = arith.index_cast %mul3A_299 : i32 to index
        %swap3A_303 = tpu.vector_load %arg8[%swap3A_301, %swap3A_302] {strides = array<i32>} : memref<32x512xf32, #tpu.memory_space<vmem>>, vector<16xf32>,
        tpu.vector_store %arg8[%swap3A_301, %swap3A_302], %gather3A_255 {strides = array<i32>} : memref<32x512xf32, #tpu.memory_space<vmem>>, vector<16xf32>,
        %broadcast_in_dim3A_304 = arith.constant 24 : i32
        %broadcast_in_dim3A_305 = vector.broadcast %broadcast_in_dim3A_304 : i32 to vector<16xi32>
        %gather3A_306 = tpu.vector_load_idx %arg5[%broadcast_in_dim3A_305, %get3A_90] : memref<64x512xf32, #tpu.memory_space<vmem>>[vector<16xi32>, vector<16xi32>], vector<16xf32>,
        %broadcast_in_dim3A_307 = arith.constant 25 : i32
        %broadcast_in_dim3A_308 = vector.broadcast %broadcast_in_dim3A_307 : i32 to vector<16xi32>
        %gather3A_309 = tpu.vector_load_idx %arg5[%broadcast_in_dim3A_308, %get3A_90] : memref<64x512xf32, #tpu.memory_space<vmem>>[vector<16xi32>, vector<16xi32>], vector<16xf32>,
        %broadcast_in_dim3A_310 = arith.constant 26 : i32
        %broadcast_in_dim3A_311 = vector.broadcast %broadcast_in_dim3A_310 : i32 to vector<16xi32>
        %gather3A_312 = tpu.vector_load_idx %arg5[%broadcast_in_dim3A_311, %get3A_90] : memref<64x512xf32, #tpu.memory_space<vmem>>[vector<16xi32>, vector<16xi32>], vector<16xf32>,
        %broadcast_in_dim3A_313 = arith.constant 27 : i32
        %broadcast_in_dim3A_314 = vector.broadcast %broadcast_in_dim3A_313 : i32 to vector<16xi32>
        %gather3A_315 = tpu.vector_load_idx %arg5[%broadcast_in_dim3A_314, %get3A_90] : memref<64x512xf32, #tpu.memory_space<vmem>>[vector<16xi32>, vector<16xi32>], vector<16xf32>,
        %broadcast_in_dim3A_316 = arith.constant 28 : i32
        %broadcast_in_dim3A_317 = vector.broadcast %broadcast_in_dim3A_316 : i32 to vector<16xi32>
        %gather3A_318 = tpu.vector_load_idx %arg5[%broadcast_in_dim3A_317, %get3A_90] : memref<64x512xf32, #tpu.memory_space<vmem>>[vector<16xi32>, vector<16xi32>], vector<16xf32>,
        %broadcast_in_dim3A_319 = arith.constant 29 : i32
        %broadcast_in_dim3A_320 = vector.broadcast %broadcast_in_dim3A_319 : i32 to vector<16xi32>
        %gather3A_321 = tpu.vector_load_idx %arg5[%broadcast_in_dim3A_320, %get3A_90] : memref<64x512xf32, #tpu.memory_space<vmem>>[vector<16xi32>, vector<16xi32>], vector<16xf32>,
        %broadcast_in_dim3A_322 = arith.constant 30 : i32
        %broadcast_in_dim3A_323 = vector.broadcast %broadcast_in_dim3A_322 : i32 to vector<16xi32>
        %gather3A_324 = tpu.vector_load_idx %arg5[%broadcast_in_dim3A_323, %get3A_90] : memref<64x512xf32, #tpu.memory_space<vmem>>[vector<16xi32>, vector<16xi32>], vector<16xf32>,
        %broadcast_in_dim3A_325 = arith.constant 31 : i32
        %broadcast_in_dim3A_326 = vector.broadcast %broadcast_in_dim3A_325 : i32 to vector<16xi32>
        %gather3A_327 = tpu.vector_load_idx %arg5[%broadcast_in_dim3A_326, %get3A_90] : memref<64x512xf32, #tpu.memory_space<vmem>>[vector<16xi32>, vector<16xi32>], vector<16xf32>,
        %mul3A_328 = arith.constant 16 : i32
        %mul3A_329 = arith.muli %scan3A_87, %mul3A_328 : i32
        %swap3A_330 = arith.constant 24 : i32
        %swap3A_331 = arith.index_cast %swap3A_330 : i32 to index
        %swap3A_332 = arith.index_cast %mul3A_329 : i32 to index
        %swap3A_333 = tpu.vector_load %arg8[%swap3A_331, %swap3A_332] {strides = array<i32>} : memref<32x512xf32, #tpu.memory_space<vmem>>, vector<16xf32>,
        tpu.vector_store %arg8[%swap3A_331, %swap3A_332], %gather3A_306 {strides = array<i32>} : memref<32x512xf32, #tpu.memory_space<vmem>>, vector<16xf32>,
        %mul3A_334 = arith.constant 16 : i32
        %mul3A_335 = arith.muli %scan3A_87, %mul3A_334 : i32
        %swap3A_336 = arith.constant 25 : i32
        %swap3A_337 = arith.index_cast %swap3A_336 : i32 to index
        %swap3A_338 = arith.index_cast %mul3A_335 : i32 to index
        %swap3A_339 = tpu.vector_load %arg8[%swap3A_337, %swap3A_338] {strides = array<i32>} : memref<32x512xf32, #tpu.memory_space<vmem>>, vector<16xf32>,
        tpu.vector_store %arg8[%swap3A_337, %swap3A_338], %gather3A_309 {strides = array<i32>} : memref<32x512xf32, #tpu.memory_space<vmem>>, vector<16xf32>,
        %mul3A_340 = arith.constant 16 : i32
        %mul3A_341 = arith.muli %scan3A_87, %mul3A_340 : i32
        %swap3A_342 = arith.constant 26 : i32
        %swap3A_343 = arith.index_cast %swap3A_342 : i32 to index
        %swap3A_344 = arith.index_cast %mul3A_341 : i32 to index
        %swap3A_345 = tpu.vector_load %arg8[%swap3A_343, %swap3A_344] {strides = array<i32>} : memref<32x512xf32, #tpu.memory_space<vmem>>, vector<16xf32>,
        tpu.vector_store %arg8[%swap3A_343, %swap3A_344], %gather3A_312 {strides = array<i32>} : memref<32x512xf32, #tpu.memory_space<vmem>>, vector<16xf32>,
        %mul3A_346 = arith.constant 16 : i32
        %mul3A_347 = arith.muli %scan3A_87, %mul3A_346 : i32
        %swap3A_348 = arith.constant 27 : i32
        %swap3A_349 = arith.index_cast %swap3A_348 : i32 to index
        %swap3A_350 = arith.index_cast %mul3A_347 : i32 to index
        %swap3A_351 = tpu.vector_load %arg8[%swap3A_349, %swap3A_350] {strides = array<i32>} : memref<32x512xf32, #tpu.memory_space<vmem>>, vector<16xf32>,
        tpu.vector_store %arg8[%swap3A_349, %swap3A_350], %gather3A_315 {strides = array<i32>} : memref<32x512xf32, #tpu.memory_space<vmem>>, vector<16xf32>,
        %mul3A_352 = arith.constant 16 : i32
        %mul3A_353 = arith.muli %scan3A_87, %mul3A_352 : i32
        %swap3A_354 = arith.constant 28 : i32
        %swap3A_355 = arith.index_cast %swap3A_354 : i32 to index
        %swap3A_356 = arith.index_cast %mul3A_353 : i32 to index
        %swap3A_357 = tpu.vector_load %arg8[%swap3A_355, %swap3A_356] {strides = array<i32>} : memref<32x512xf32, #tpu.memory_space<vmem>>, vector<16xf32>,
        tpu.vector_store %arg8[%swap3A_355, %swap3A_356], %gather3A_318 {strides = array<i32>} : memref<32x512xf32, #tpu.memory_space<vmem>>, vector<16xf32>,
        %mul3A_358 = arith.constant 16 : i32
        %mul3A_359 = arith.muli %scan3A_87, %mul3A_358 : i32
        %swap3A_360 = arith.constant 29 : i32
        %swap3A_361 = arith.index_cast %swap3A_360 : i32 to index
        %swap3A_362 = arith.index_cast %mul3A_359 : i32 to index
        %swap3A_363 = tpu.vector_load %arg8[%swap3A_361, %swap3A_362] {strides = array<i32>} : memref<32x512xf32, #tpu.memory_space<vmem>>, vector<16xf32>,
        tpu.vector_store %arg8[%swap3A_361, %swap3A_362], %gather3A_321 {strides = array<i32>} : memref<32x512xf32, #tpu.memory_space<vmem>>, vector<16xf32>,
        %mul3A_364 = arith.constant 16 : i32
        %mul3A_365 = arith.muli %scan3A_87, %mul3A_364 : i32
        %swap3A_366 = arith.constant 30 : i32
        %swap3A_367 = arith.index_cast %swap3A_366 : i32 to index
        %swap3A_368 = arith.index_cast %mul3A_365 : i32 to index
        %swap3A_369 = tpu.vector_load %arg8[%swap3A_367, %swap3A_368] {strides = array<i32>} : memref<32x512xf32, #tpu.memory_space<vmem>>, vector<16xf32>,
        tpu.vector_store %arg8[%swap3A_367, %swap3A_368], %gather3A_324 {strides = array<i32>} : memref<32x512xf32, #tpu.memory_space<vmem>>, vector<16xf32>,
        %mul3A_370 = arith.constant 16 : i32
        %mul3A_371 = arith.muli %scan3A_87, %mul3A_370 : i32
        %swap3A_372 = arith.constant 31 : i32
        %swap3A_373 = arith.index_cast %swap3A_372 : i32 to index
        %swap3A_374 = arith.index_cast %mul3A_371 : i32 to index
        %swap3A_375 = tpu.vector_load %arg8[%swap3A_373, %swap3A_374] {strides = array<i32>} : memref<32x512xf32, #tpu.memory_space<vmem>>, vector<16xf32>,
        tpu.vector_store %arg8[%swap3A_373, %swap3A_374], %gather3A_327 {strides = array<i32>} : memref<32x512xf32, #tpu.memory_space<vmem>>, vector<16xf32>,
      }
      %scan3A_60 = arith.constant 32 : i32
      %dma_start3A = arith.constant 0 : i32
      %dma_start3A_61 = arith.constant 0 : i32
      %dma_start3A_62 = tpu.memref_slice %arg4[%arg0, %select_n3A, %sub3A_46, %dma_start3A, %dma_start3A_61] : memref<2x24x24x64x512xf32, #tpu.memory_space<hbm>> -> memref<1x1x1x32x512xf32, #tpu.memory_space<hbm>>
      %dma_start3A_63 = tpu.memref_squeeze %dma_start3A_62 : memref<1x1x1x32x512xf32, #tpu.memory_space<hbm>> -> memref<32x512xf32, #tpu.memory_space<hbm>>
      %dma_start3A_64 = arith.constant 0 : i32
      %dma_start3A_65 = arith.constant 0 : i32
      %dma_start3A_66 = tpu.memref_slice %arg4[%arg0, %select_n3A, %sub3A_46, %dma_start3A_64, %dma_start3A_65] : memref<2x24x24x64x512xf32, #tpu.memory_space<hbm>> -> memref<1x1x1x32x512xf32, #tpu.memory_space<hbm>>
      %dma_start3A_67 = tpu.memref_squeeze %dma_start3A_66 : memref<1x1x1x32x512xf32, #tpu.memory_space<hbm>> -> memref<32x512xf32, #tpu.memory_space<hbm>>
      tpu.enqueue_dma source(%arg8 : memref<32x512xf32, #tpu.memory_space<vmem>>) target(%dma_start3A_67 : memref<32x512xf32, #tpu.memory_space<hbm>>) target_semaphore(%arg10 : memref<!tpu.dma_semaphore, #tpu.memory_space<semaphore_mem>>)
      %gt3A_68 = arith.constant 0 : i32
      %gt3A_69 = arith.cmpi sgt, %scan3A_27, %gt3A_68 : i32
      %convert_element_type3A_70 = arith.extui %gt3A_69 : i1 to i32
      %cond3A_71 = arith.constant 0 : i32
      %cond3A_72 = arith.cmpi ne, %convert_element_type3A_70, %cond3A_71 : i32
      scf.if %cond3A_72 {
        %dma_wait3A_87 = arith.constant 0 : i32
        %dma_wait3A_88 = arith.constant 0 : i32
        %dma_wait3A_89 = arith.constant 0 : i32
        %dma_wait3A_90 = arith.constant 0 : i32
        %dma_wait3A_91 = arith.constant 0 : i32
        %dma_wait3A_92 = tpu.memref_slice %arg4[%dma_wait3A_87, %dma_wait3A_88, %dma_wait3A_89, %dma_wait3A_90, %dma_wait3A_91] : memref<2x24x24x64x512xf32, #tpu.memory_space<hbm>> -> memref<1x1x1x32x512xf32, #tpu.memory_space<hbm>>
        %dma_wait3A_93 = tpu.memref_squeeze %dma_wait3A_92 : memref<1x1x1x32x512xf32, #tpu.memory_space<hbm>> -> memref<32x512xf32, #tpu.memory_space<hbm>>
        %dma_wait3A_94 = arith.constant 0 : i32
        %dma_wait3A_95 = arith.constant 0 : i32
        %dma_wait3A_96 = tpu.memref_slice %arg4[%dma_wait3A_87, %dma_wait3A_88, %dma_wait3A_89, %dma_wait3A_94, %dma_wait3A_95] : memref<2x24x24x64x512xf32, #tpu.memory_space<hbm>> -> memref<1x1x1x32x512xf32, #tpu.memory_space<hbm>>
        %dma_wait3A_97 = tpu.memref_squeeze %dma_wait3A_96 : memref<1x1x1x32x512xf32, #tpu.memory_space<hbm>> -> memref<32x512xf32, #tpu.memory_space<hbm>>
        tpu.wait_dma2 semaphore(%arg11 : memref<!tpu.dma_semaphore, #tpu.memory_space<semaphore_mem>>) src(%dma_wait3A_97 : memref<32x512xf32, #tpu.memory_space<hbm>>) dst(%arg9 : memref<32x512xf32, #tpu.memory_space<vmem>>)
      } else {
      }
      %scan3A_73 = arith.constant 0 : i32
      %scan3A_74 = arith.constant 0 : i32
      %scan3A_75 = arith.constant 32 : i32
      %scan3A_76 = arith.addi %scan3A_74, %scan3A_75 : i32
      %scan3A_77 = arith.constant 1 : i32
      scf.for %scan3A_87 = %scan3A_74 to %scan3A_76 step %scan3A_77  : i32 {
        %mul3A_88 = arith.constant 16 : i32
        %mul3A_89 = arith.muli %scan3A_87, %mul3A_88 : i32
        %get3A = arith.index_cast %mul3A_89 : i32 to index
        %get3A_90 = tpu.vector_load %arg7[%get3A] {strides = array<i32>} : memref<512xi32, #tpu.memory_space<vmem>>, vector<16xi32>,
        %broadcast_in_dim3A = arith.constant 32 : i32
        %broadcast_in_dim3A_91 = vector.broadcast %broadcast_in_dim3A : i32 to vector<16xi32>
        %gather3A = tpu.vector_load_idx %arg5[%broadcast_in_dim3A_91, %get3A_90] : memref<64x512xf32, #tpu.memory_space<vmem>>[vector<16xi32>, vector<16xi32>], vector<16xf32>,
        %broadcast_in_dim3A_92 = arith.constant 33 : i32
        %broadcast_in_dim3A_93 = vector.broadcast %broadcast_in_dim3A_92 : i32 to vector<16xi32>
        %gather3A_94 = tpu.vector_load_idx %arg5[%broadcast_in_dim3A_93, %get3A_90] : memref<64x512xf32, #tpu.memory_space<vmem>>[vector<16xi32>, vector<16xi32>], vector<16xf32>,
        %broadcast_in_dim3A_95 = arith.constant 34 : i32
        %broadcast_in_dim3A_96 = vector.broadcast %broadcast_in_dim3A_95 : i32 to vector<16xi32>
        %gather3A_97 = tpu.vector_load_idx %arg5[%broadcast_in_dim3A_96, %get3A_90] : memref<64x512xf32, #tpu.memory_space<vmem>>[vector<16xi32>, vector<16xi32>], vector<16xf32>,
        %broadcast_in_dim3A_98 = arith.constant 35 : i32
        %broadcast_in_dim3A_99 = vector.broadcast %broadcast_in_dim3A_98 : i32 to vector<16xi32>
        %gather3A_100 = tpu.vector_load_idx %arg5[%broadcast_in_dim3A_99, %get3A_90] : memref<64x512xf32, #tpu.memory_space<vmem>>[vector<16xi32>, vector<16xi32>], vector<16xf32>,
        %broadcast_in_dim3A_101 = arith.constant 36 : i32
        %broadcast_in_dim3A_102 = vector.broadcast %broadcast_in_dim3A_101 : i32 to vector<16xi32>
        %gather3A_103 = tpu.vector_load_idx %arg5[%broadcast_in_dim3A_102, %get3A_90] : memref<64x512xf32, #tpu.memory_space<vmem>>[vector<16xi32>, vector<16xi32>], vector<16xf32>,
        %broadcast_in_dim3A_104 = arith.constant 37 : i32
        %broadcast_in_dim3A_105 = vector.broadcast %broadcast_in_dim3A_104 : i32 to vector<16xi32>
        %gather3A_106 = tpu.vector_load_idx %arg5[%broadcast_in_dim3A_105, %get3A_90] : memref<64x512xf32, #tpu.memory_space<vmem>>[vector<16xi32>, vector<16xi32>], vector<16xf32>,
        %broadcast_in_dim3A_107 = arith.constant 38 : i32
        %broadcast_in_dim3A_108 = vector.broadcast %broadcast_in_dim3A_107 : i32 to vector<16xi32>
        %gather3A_109 = tpu.vector_load_idx %arg5[%broadcast_in_dim3A_108, %get3A_90] : memref<64x512xf32, #tpu.memory_space<vmem>>[vector<16xi32>, vector<16xi32>], vector<16xf32>,
        %broadcast_in_dim3A_110 = arith.constant 39 : i32
        %broadcast_in_dim3A_111 = vector.broadcast %broadcast_in_dim3A_110 : i32 to vector<16xi32>
        %gather3A_112 = tpu.vector_load_idx %arg5[%broadcast_in_dim3A_111, %get3A_90] : memref<64x512xf32, #tpu.memory_space<vmem>>[vector<16xi32>, vector<16xi32>], vector<16xf32>,
        %mul3A_113 = arith.constant 16 : i32
        %mul3A_114 = arith.muli %scan3A_87, %mul3A_113 : i32
        %swap3A = arith.constant 0 : i32
        %swap3A_115 = arith.index_cast %swap3A : i32 to index
        %swap3A_116 = arith.index_cast %mul3A_114 : i32 to index
        %swap3A_117 = tpu.vector_load %arg9[%swap3A_115, %swap3A_116] {strides = array<i32>} : memref<32x512xf32, #tpu.memory_space<vmem>>, vector<16xf32>,
        tpu.vector_store %arg9[%swap3A_115, %swap3A_116], %gather3A {strides = array<i32>} : memref<32x512xf32, #tpu.memory_space<vmem>>, vector<16xf32>,
        %mul3A_118 = arith.constant 16 : i32
        %mul3A_119 = arith.muli %scan3A_87, %mul3A_118 : i32
        %swap3A_120 = arith.constant 1 : i32
        %swap3A_121 = arith.index_cast %swap3A_120 : i32 to index
        %swap3A_122 = arith.index_cast %mul3A_119 : i32 to index
        %swap3A_123 = tpu.vector_load %arg9[%swap3A_121, %swap3A_122] {strides = array<i32>} : memref<32x512xf32, #tpu.memory_space<vmem>>, vector<16xf32>,
        tpu.vector_store %arg9[%swap3A_121, %swap3A_122], %gather3A_94 {strides = array<i32>} : memref<32x512xf32, #tpu.memory_space<vmem>>, vector<16xf32>,
        %mul3A_124 = arith.constant 16 : i32
        %mul3A_125 = arith.muli %scan3A_87, %mul3A_124 : i32
        %swap3A_126 = arith.constant 2 : i32
        %swap3A_127 = arith.index_cast %swap3A_126 : i32 to index
        %swap3A_128 = arith.index_cast %mul3A_125 : i32 to index
        %swap3A_129 = tpu.vector_load %arg9[%swap3A_127, %swap3A_128] {strides = array<i32>} : memref<32x512xf32, #tpu.memory_space<vmem>>, vector<16xf32>,
        tpu.vector_store %arg9[%swap3A_127, %swap3A_128], %gather3A_97 {strides = array<i32>} : memref<32x512xf32, #tpu.memory_space<vmem>>, vector<16xf32>,
        %mul3A_130 = arith.constant 16 : i32
        %mul3A_131 = arith.muli %scan3A_87, %mul3A_130 : i32
        %swap3A_132 = arith.constant 3 : i32
        %swap3A_133 = arith.index_cast %swap3A_132 : i32 to index
        %swap3A_134 = arith.index_cast %mul3A_131 : i32 to index
        %swap3A_135 = tpu.vector_load %arg9[%swap3A_133, %swap3A_134] {strides = array<i32>} : memref<32x512xf32, #tpu.memory_space<vmem>>, vector<16xf32>,
        tpu.vector_store %arg9[%swap3A_133, %swap3A_134], %gather3A_100 {strides = array<i32>} : memref<32x512xf32, #tpu.memory_space<vmem>>, vector<16xf32>,
        %mul3A_136 = arith.constant 16 : i32
        %mul3A_137 = arith.muli %scan3A_87, %mul3A_136 : i32
        %swap3A_138 = arith.constant 4 : i32
        %swap3A_139 = arith.index_cast %swap3A_138 : i32 to index
        %swap3A_140 = arith.index_cast %mul3A_137 : i32 to index
        %swap3A_141 = tpu.vector_load %arg9[%swap3A_139, %swap3A_140] {strides = array<i32>} : memref<32x512xf32, #tpu.memory_space<vmem>>, vector<16xf32>,
        tpu.vector_store %arg9[%swap3A_139, %swap3A_140], %gather3A_103 {strides = array<i32>} : memref<32x512xf32, #tpu.memory_space<vmem>>, vector<16xf32>,
        %mul3A_142 = arith.constant 16 : i32
        %mul3A_143 = arith.muli %scan3A_87, %mul3A_142 : i32
        %swap3A_144 = arith.constant 5 : i32
        %swap3A_145 = arith.index_cast %swap3A_144 : i32 to index
        %swap3A_146 = arith.index_cast %mul3A_143 : i32 to index
        %swap3A_147 = tpu.vector_load %arg9[%swap3A_145, %swap3A_146] {strides = array<i32>} : memref<32x512xf32, #tpu.memory_space<vmem>>, vector<16xf32>,
        tpu.vector_store %arg9[%swap3A_145, %swap3A_146], %gather3A_106 {strides = array<i32>} : memref<32x512xf32, #tpu.memory_space<vmem>>, vector<16xf32>,
        %mul3A_148 = arith.constant 16 : i32
        %mul3A_149 = arith.muli %scan3A_87, %mul3A_148 : i32
        %swap3A_150 = arith.constant 6 : i32
        %swap3A_151 = arith.index_cast %swap3A_150 : i32 to index
        %swap3A_152 = arith.index_cast %mul3A_149 : i32 to index
        %swap3A_153 = tpu.vector_load %arg9[%swap3A_151, %swap3A_152] {strides = array<i32>} : memref<32x512xf32, #tpu.memory_space<vmem>>, vector<16xf32>,
        tpu.vector_store %arg9[%swap3A_151, %swap3A_152], %gather3A_109 {strides = array<i32>} : memref<32x512xf32, #tpu.memory_space<vmem>>, vector<16xf32>,
        %mul3A_154 = arith.constant 16 : i32
        %mul3A_155 = arith.muli %scan3A_87, %mul3A_154 : i32
        %swap3A_156 = arith.constant 7 : i32
        %swap3A_157 = arith.index_cast %swap3A_156 : i32 to index
        %swap3A_158 = arith.index_cast %mul3A_155 : i32 to index
        %swap3A_159 = tpu.vector_load %arg9[%swap3A_157, %swap3A_158] {strides = array<i32>} : memref<32x512xf32, #tpu.memory_space<vmem>>, vector<16xf32>,
        tpu.vector_store %arg9[%swap3A_157, %swap3A_158], %gather3A_112 {strides = array<i32>} : memref<32x512xf32, #tpu.memory_space<vmem>>, vector<16xf32>,
        %broadcast_in_dim3A_160 = arith.constant 40 : i32
        %broadcast_in_dim3A_161 = vector.broadcast %broadcast_in_dim3A_160 : i32 to vector<16xi32>
        %gather3A_162 = tpu.vector_load_idx %arg5[%broadcast_in_dim3A_161, %get3A_90] : memref<64x512xf32, #tpu.memory_space<vmem>>[vector<16xi32>, vector<16xi32>], vector<16xf32>,
        %broadcast_in_dim3A_163 = arith.constant 41 : i32
        %broadcast_in_dim3A_164 = vector.broadcast %broadcast_in_dim3A_163 : i32 to vector<16xi32>
        %gather3A_165 = tpu.vector_load_idx %arg5[%broadcast_in_dim3A_164, %get3A_90] : memref<64x512xf32, #tpu.memory_space<vmem>>[vector<16xi32>, vector<16xi32>], vector<16xf32>,
        %broadcast_in_dim3A_166 = arith.constant 42 : i32
        %broadcast_in_dim3A_167 = vector.broadcast %broadcast_in_dim3A_166 : i32 to vector<16xi32>
        %gather3A_168 = tpu.vector_load_idx %arg5[%broadcast_in_dim3A_167, %get3A_90] : memref<64x512xf32, #tpu.memory_space<vmem>>[vector<16xi32>, vector<16xi32>], vector<16xf32>,
        %broadcast_in_dim3A_169 = arith.constant 43 : i32
        %broadcast_in_dim3A_170 = vector.broadcast %broadcast_in_dim3A_169 : i32 to vector<16xi32>
        %gather3A_171 = tpu.vector_load_idx %arg5[%broadcast_in_dim3A_170, %get3A_90] : memref<64x512xf32, #tpu.memory_space<vmem>>[vector<16xi32>, vector<16xi32>], vector<16xf32>,
        %broadcast_in_dim3A_172 = arith.constant 44 : i32
        %broadcast_in_dim3A_173 = vector.broadcast %broadcast_in_dim3A_172 : i32 to vector<16xi32>
        %gather3A_174 = tpu.vector_load_idx %arg5[%broadcast_in_dim3A_173, %get3A_90] : memref<64x512xf32, #tpu.memory_space<vmem>>[vector<16xi32>, vector<16xi32>], vector<16xf32>,
        %broadcast_in_dim3A_175 = arith.constant 45 : i32
        %broadcast_in_dim3A_176 = vector.broadcast %broadcast_in_dim3A_175 : i32 to vector<16xi32>
        %gather3A_177 = tpu.vector_load_idx %arg5[%broadcast_in_dim3A_176, %get3A_90] : memref<64x512xf32, #tpu.memory_space<vmem>>[vector<16xi32>, vector<16xi32>], vector<16xf32>,
        %broadcast_in_dim3A_178 = arith.constant 46 : i32
        %broadcast_in_dim3A_179 = vector.broadcast %broadcast_in_dim3A_178 : i32 to vector<16xi32>
        %gather3A_180 = tpu.vector_load_idx %arg5[%broadcast_in_dim3A_179, %get3A_90] : memref<64x512xf32, #tpu.memory_space<vmem>>[vector<16xi32>, vector<16xi32>], vector<16xf32>,
        %broadcast_in_dim3A_181 = arith.constant 47 : i32
        %broadcast_in_dim3A_182 = vector.broadcast %broadcast_in_dim3A_181 : i32 to vector<16xi32>
        %gather3A_183 = tpu.vector_load_idx %arg5[%broadcast_in_dim3A_182, %get3A_90] : memref<64x512xf32, #tpu.memory_space<vmem>>[vector<16xi32>, vector<16xi32>], vector<16xf32>,
        %mul3A_184 = arith.constant 16 : i32
        %mul3A_185 = arith.muli %scan3A_87, %mul3A_184 : i32
        %swap3A_186 = arith.constant 8 : i32
        %swap3A_187 = arith.index_cast %swap3A_186 : i32 to index
        %swap3A_188 = arith.index_cast %mul3A_185 : i32 to index
        %swap3A_189 = tpu.vector_load %arg9[%swap3A_187, %swap3A_188] {strides = array<i32>} : memref<32x512xf32, #tpu.memory_space<vmem>>, vector<16xf32>,
        tpu.vector_store %arg9[%swap3A_187, %swap3A_188], %gather3A_162 {strides = array<i32>} : memref<32x512xf32, #tpu.memory_space<vmem>>, vector<16xf32>,
        %mul3A_190 = arith.constant 16 : i32
        %mul3A_191 = arith.muli %scan3A_87, %mul3A_190 : i32
        %swap3A_192 = arith.constant 9 : i32
        %swap3A_193 = arith.index_cast %swap3A_192 : i32 to index
        %swap3A_194 = arith.index_cast %mul3A_191 : i32 to index
        %swap3A_195 = tpu.vector_load %arg9[%swap3A_193, %swap3A_194] {strides = array<i32>} : memref<32x512xf32, #tpu.memory_space<vmem>>, vector<16xf32>,
        tpu.vector_store %arg9[%swap3A_193, %swap3A_194], %gather3A_165 {strides = array<i32>} : memref<32x512xf32, #tpu.memory_space<vmem>>, vector<16xf32>,
        %mul3A_196 = arith.constant 16 : i32
        %mul3A_197 = arith.muli %scan3A_87, %mul3A_196 : i32
        %swap3A_198 = arith.constant 10 : i32
        %swap3A_199 = arith.index_cast %swap3A_198 : i32 to index
        %swap3A_200 = arith.index_cast %mul3A_197 : i32 to index
        %swap3A_201 = tpu.vector_load %arg9[%swap3A_199, %swap3A_200] {strides = array<i32>} : memref<32x512xf32, #tpu.memory_space<vmem>>, vector<16xf32>,
        tpu.vector_store %arg9[%swap3A_199, %swap3A_200], %gather3A_168 {strides = array<i32>} : memref<32x512xf32, #tpu.memory_space<vmem>>, vector<16xf32>,
        %mul3A_202 = arith.constant 16 : i32
        %mul3A_203 = arith.muli %scan3A_87, %mul3A_202 : i32
        %swap3A_204 = arith.constant 11 : i32
        %swap3A_205 = arith.index_cast %swap3A_204 : i32 to index
        %swap3A_206 = arith.index_cast %mul3A_203 : i32 to index
        %swap3A_207 = tpu.vector_load %arg9[%swap3A_205, %swap3A_206] {strides = array<i32>} : memref<32x512xf32, #tpu.memory_space<vmem>>, vector<16xf32>,
        tpu.vector_store %arg9[%swap3A_205, %swap3A_206], %gather3A_171 {strides = array<i32>} : memref<32x512xf32, #tpu.memory_space<vmem>>, vector<16xf32>,
        %mul3A_208 = arith.constant 16 : i32
        %mul3A_209 = arith.muli %scan3A_87, %mul3A_208 : i32
        %swap3A_210 = arith.constant 12 : i32
        %swap3A_211 = arith.index_cast %swap3A_210 : i32 to index
        %swap3A_212 = arith.index_cast %mul3A_209 : i32 to index
        %swap3A_213 = tpu.vector_load %arg9[%swap3A_211, %swap3A_212] {strides = array<i32>} : memref<32x512xf32, #tpu.memory_space<vmem>>, vector<16xf32>,
        tpu.vector_store %arg9[%swap3A_211, %swap3A_212], %gather3A_174 {strides = array<i32>} : memref<32x512xf32, #tpu.memory_space<vmem>>, vector<16xf32>,
        %mul3A_214 = arith.constant 16 : i32
        %mul3A_215 = arith.muli %scan3A_87, %mul3A_214 : i32
        %swap3A_216 = arith.constant 13 : i32
        %swap3A_217 = arith.index_cast %swap3A_216 : i32 to index
        %swap3A_218 = arith.index_cast %mul3A_215 : i32 to index
        %swap3A_219 = tpu.vector_load %arg9[%swap3A_217, %swap3A_218] {strides = array<i32>} : memref<32x512xf32, #tpu.memory_space<vmem>>, vector<16xf32>,
        tpu.vector_store %arg9[%swap3A_217, %swap3A_218], %gather3A_177 {strides = array<i32>} : memref<32x512xf32, #tpu.memory_space<vmem>>, vector<16xf32>,
        %mul3A_220 = arith.constant 16 : i32
        %mul3A_221 = arith.muli %scan3A_87, %mul3A_220 : i32
        %swap3A_222 = arith.constant 14 : i32
        %swap3A_223 = arith.index_cast %swap3A_222 : i32 to index
        %swap3A_224 = arith.index_cast %mul3A_221 : i32 to index
        %swap3A_225 = tpu.vector_load %arg9[%swap3A_223, %swap3A_224] {strides = array<i32>} : memref<32x512xf32, #tpu.memory_space<vmem>>, vector<16xf32>,
        tpu.vector_store %arg9[%swap3A_223, %swap3A_224], %gather3A_180 {strides = array<i32>} : memref<32x512xf32, #tpu.memory_space<vmem>>, vector<16xf32>,
        %mul3A_226 = arith.constant 16 : i32
        %mul3A_227 = arith.muli %scan3A_87, %mul3A_226 : i32
        %swap3A_228 = arith.constant 15 : i32
        %swap3A_229 = arith.index_cast %swap3A_228 : i32 to index
        %swap3A_230 = arith.index_cast %mul3A_227 : i32 to index
        %swap3A_231 = tpu.vector_load %arg9[%swap3A_229, %swap3A_230] {strides = array<i32>} : memref<32x512xf32, #tpu.memory_space<vmem>>, vector<16xf32>,
        tpu.vector_store %arg9[%swap3A_229, %swap3A_230], %gather3A_183 {strides = array<i32>} : memref<32x512xf32, #tpu.memory_space<vmem>>, vector<16xf32>,
        %broadcast_in_dim3A_232 = arith.constant 48 : i32
        %broadcast_in_dim3A_233 = vector.broadcast %broadcast_in_dim3A_232 : i32 to vector<16xi32>
        %gather3A_234 = tpu.vector_load_idx %arg5[%broadcast_in_dim3A_233, %get3A_90] : memref<64x512xf32, #tpu.memory_space<vmem>>[vector<16xi32>, vector<16xi32>], vector<16xf32>,
        %broadcast_in_dim3A_235 = arith.constant 49 : i32
        %broadcast_in_dim3A_236 = vector.broadcast %broadcast_in_dim3A_235 : i32 to vector<16xi32>
        %gather3A_237 = tpu.vector_load_idx %arg5[%broadcast_in_dim3A_236, %get3A_90] : memref<64x512xf32, #tpu.memory_space<vmem>>[vector<16xi32>, vector<16xi32>], vector<16xf32>,
        %broadcast_in_dim3A_238 = arith.constant 50 : i32
        %broadcast_in_dim3A_239 = vector.broadcast %broadcast_in_dim3A_238 : i32 to vector<16xi32>
        %gather3A_240 = tpu.vector_load_idx %arg5[%broadcast_in_dim3A_239, %get3A_90] : memref<64x512xf32, #tpu.memory_space<vmem>>[vector<16xi32>, vector<16xi32>], vector<16xf32>,
        %broadcast_in_dim3A_241 = arith.constant 51 : i32
        %broadcast_in_dim3A_242 = vector.broadcast %broadcast_in_dim3A_241 : i32 to vector<16xi32>
        %gather3A_243 = tpu.vector_load_idx %arg5[%broadcast_in_dim3A_242, %get3A_90] : memref<64x512xf32, #tpu.memory_space<vmem>>[vector<16xi32>, vector<16xi32>], vector<16xf32>,
        %broadcast_in_dim3A_244 = arith.constant 52 : i32
        %broadcast_in_dim3A_245 = vector.broadcast %broadcast_in_dim3A_244 : i32 to vector<16xi32>
        %gather3A_246 = tpu.vector_load_idx %arg5[%broadcast_in_dim3A_245, %get3A_90] : memref<64x512xf32, #tpu.memory_space<vmem>>[vector<16xi32>, vector<16xi32>], vector<16xf32>,
        %broadcast_in_dim3A_247 = arith.constant 53 : i32
        %broadcast_in_dim3A_248 = vector.broadcast %broadcast_in_dim3A_247 : i32 to vector<16xi32>
        %gather3A_249 = tpu.vector_load_idx %arg5[%broadcast_in_dim3A_248, %get3A_90] : memref<64x512xf32, #tpu.memory_space<vmem>>[vector<16xi32>, vector<16xi32>], vector<16xf32>,
        %broadcast_in_dim3A_250 = arith.constant 54 : i32
        %broadcast_in_dim3A_251 = vector.broadcast %broadcast_in_dim3A_250 : i32 to vector<16xi32>
        %gather3A_252 = tpu.vector_load_idx %arg5[%broadcast_in_dim3A_251, %get3A_90] : memref<64x512xf32, #tpu.memory_space<vmem>>[vector<16xi32>, vector<16xi32>], vector<16xf32>,
        %broadcast_in_dim3A_253 = arith.constant 55 : i32
        %broadcast_in_dim3A_254 = vector.broadcast %broadcast_in_dim3A_253 : i32 to vector<16xi32>
        %gather3A_255 = tpu.vector_load_idx %arg5[%broadcast_in_dim3A_254, %get3A_90] : memref<64x512xf32, #tpu.memory_space<vmem>>[vector<16xi32>, vector<16xi32>], vector<16xf32>,
        %mul3A_256 = arith.constant 16 : i32
        %mul3A_257 = arith.muli %scan3A_87, %mul3A_256 : i32
        %swap3A_258 = arith.constant 16 : i32
        %swap3A_259 = arith.index_cast %swap3A_258 : i32 to index
        %swap3A_260 = arith.index_cast %mul3A_257 : i32 to index
        %swap3A_261 = tpu.vector_load %arg9[%swap3A_259, %swap3A_260] {strides = array<i32>} : memref<32x512xf32, #tpu.memory_space<vmem>>, vector<16xf32>,
        tpu.vector_store %arg9[%swap3A_259, %swap3A_260], %gather3A_234 {strides = array<i32>} : memref<32x512xf32, #tpu.memory_space<vmem>>, vector<16xf32>,
        %mul3A_262 = arith.constant 16 : i32
        %mul3A_263 = arith.muli %scan3A_87, %mul3A_262 : i32
        %swap3A_264 = arith.constant 17 : i32
        %swap3A_265 = arith.index_cast %swap3A_264 : i32 to index
        %swap3A_266 = arith.index_cast %mul3A_263 : i32 to index
        %swap3A_267 = tpu.vector_load %arg9[%swap3A_265, %swap3A_266] {strides = array<i32>} : memref<32x512xf32, #tpu.memory_space<vmem>>, vector<16xf32>,
        tpu.vector_store %arg9[%swap3A_265, %swap3A_266], %gather3A_237 {strides = array<i32>} : memref<32x512xf32, #tpu.memory_space<vmem>>, vector<16xf32>,
        %mul3A_268 = arith.constant 16 : i32
        %mul3A_269 = arith.muli %scan3A_87, %mul3A_268 : i32
        %swap3A_270 = arith.constant 18 : i32
        %swap3A_271 = arith.index_cast %swap3A_270 : i32 to index
        %swap3A_272 = arith.index_cast %mul3A_269 : i32 to index
        %swap3A_273 = tpu.vector_load %arg9[%swap3A_271, %swap3A_272] {strides = array<i32>} : memref<32x512xf32, #tpu.memory_space<vmem>>, vector<16xf32>,
        tpu.vector_store %arg9[%swap3A_271, %swap3A_272], %gather3A_240 {strides = array<i32>} : memref<32x512xf32, #tpu.memory_space<vmem>>, vector<16xf32>,
        %mul3A_274 = arith.constant 16 : i32
        %mul3A_275 = arith.muli %scan3A_87, %mul3A_274 : i32
        %swap3A_276 = arith.constant 19 : i32
        %swap3A_277 = arith.index_cast %swap3A_276 : i32 to index
        %swap3A_278 = arith.index_cast %mul3A_275 : i32 to index
        %swap3A_279 = tpu.vector_load %arg9[%swap3A_277, %swap3A_278] {strides = array<i32>} : memref<32x512xf32, #tpu.memory_space<vmem>>, vector<16xf32>,
        tpu.vector_store %arg9[%swap3A_277, %swap3A_278], %gather3A_243 {strides = array<i32>} : memref<32x512xf32, #tpu.memory_space<vmem>>, vector<16xf32>,
        %mul3A_280 = arith.constant 16 : i32
        %mul3A_281 = arith.muli %scan3A_87, %mul3A_280 : i32
        %swap3A_282 = arith.constant 20 : i32
        %swap3A_283 = arith.index_cast %swap3A_282 : i32 to index
        %swap3A_284 = arith.index_cast %mul3A_281 : i32 to index
        %swap3A_285 = tpu.vector_load %arg9[%swap3A_283, %swap3A_284] {strides = array<i32>} : memref<32x512xf32, #tpu.memory_space<vmem>>, vector<16xf32>,
        tpu.vector_store %arg9[%swap3A_283, %swap3A_284], %gather3A_246 {strides = array<i32>} : memref<32x512xf32, #tpu.memory_space<vmem>>, vector<16xf32>,
        %mul3A_286 = arith.constant 16 : i32
        %mul3A_287 = arith.muli %scan3A_87, %mul3A_286 : i32
        %swap3A_288 = arith.constant 21 : i32
        %swap3A_289 = arith.index_cast %swap3A_288 : i32 to index
        %swap3A_290 = arith.index_cast %mul3A_287 : i32 to index
        %swap3A_291 = tpu.vector_load %arg9[%swap3A_289, %swap3A_290] {strides = array<i32>} : memref<32x512xf32, #tpu.memory_space<vmem>>, vector<16xf32>,
        tpu.vector_store %arg9[%swap3A_289, %swap3A_290], %gather3A_249 {strides = array<i32>} : memref<32x512xf32, #tpu.memory_space<vmem>>, vector<16xf32>,
        %mul3A_292 = arith.constant 16 : i32
        %mul3A_293 = arith.muli %scan3A_87, %mul3A_292 : i32
        %swap3A_294 = arith.constant 22 : i32
        %swap3A_295 = arith.index_cast %swap3A_294 : i32 to index
        %swap3A_296 = arith.index_cast %mul3A_293 : i32 to index
        %swap3A_297 = tpu.vector_load %arg9[%swap3A_295, %swap3A_296] {strides = array<i32>} : memref<32x512xf32, #tpu.memory_space<vmem>>, vector<16xf32>,
        tpu.vector_store %arg9[%swap3A_295, %swap3A_296], %gather3A_252 {strides = array<i32>} : memref<32x512xf32, #tpu.memory_space<vmem>>, vector<16xf32>,
        %mul3A_298 = arith.constant 16 : i32
        %mul3A_299 = arith.muli %scan3A_87, %mul3A_298 : i32
        %swap3A_300 = arith.constant 23 : i32
        %swap3A_301 = arith.index_cast %swap3A_300 : i32 to index
        %swap3A_302 = arith.index_cast %mul3A_299 : i32 to index
        %swap3A_303 = tpu.vector_load %arg9[%swap3A_301, %swap3A_302] {strides = array<i32>} : memref<32x512xf32, #tpu.memory_space<vmem>>, vector<16xf32>,
        tpu.vector_store %arg9[%swap3A_301, %swap3A_302], %gather3A_255 {strides = array<i32>} : memref<32x512xf32, #tpu.memory_space<vmem>>, vector<16xf32>,
        %broadcast_in_dim3A_304 = arith.constant 56 : i32
        %broadcast_in_dim3A_305 = vector.broadcast %broadcast_in_dim3A_304 : i32 to vector<16xi32>
        %gather3A_306 = tpu.vector_load_idx %arg5[%broadcast_in_dim3A_305, %get3A_90] : memref<64x512xf32, #tpu.memory_space<vmem>>[vector<16xi32>, vector<16xi32>], vector<16xf32>,
        %broadcast_in_dim3A_307 = arith.constant 57 : i32
        %broadcast_in_dim3A_308 = vector.broadcast %broadcast_in_dim3A_307 : i32 to vector<16xi32>
        %gather3A_309 = tpu.vector_load_idx %arg5[%broadcast_in_dim3A_308, %get3A_90] : memref<64x512xf32, #tpu.memory_space<vmem>>[vector<16xi32>, vector<16xi32>], vector<16xf32>,
        %broadcast_in_dim3A_310 = arith.constant 58 : i32
        %broadcast_in_dim3A_311 = vector.broadcast %broadcast_in_dim3A_310 : i32 to vector<16xi32>
        %gather3A_312 = tpu.vector_load_idx %arg5[%broadcast_in_dim3A_311, %get3A_90] : memref<64x512xf32, #tpu.memory_space<vmem>>[vector<16xi32>, vector<16xi32>], vector<16xf32>,
        %broadcast_in_dim3A_313 = arith.constant 59 : i32
        %broadcast_in_dim3A_314 = vector.broadcast %broadcast_in_dim3A_313 : i32 to vector<16xi32>
        %gather3A_315 = tpu.vector_load_idx %arg5[%broadcast_in_dim3A_314, %get3A_90] : memref<64x512xf32, #tpu.memory_space<vmem>>[vector<16xi32>, vector<16xi32>], vector<16xf32>,
        %broadcast_in_dim3A_316 = arith.constant 60 : i32
        %broadcast_in_dim3A_317 = vector.broadcast %broadcast_in_dim3A_316 : i32 to vector<16xi32>
        %gather3A_318 = tpu.vector_load_idx %arg5[%broadcast_in_dim3A_317, %get3A_90] : memref<64x512xf32, #tpu.memory_space<vmem>>[vector<16xi32>, vector<16xi32>], vector<16xf32>,
        %broadcast_in_dim3A_319 = arith.constant 61 : i32
        %broadcast_in_dim3A_320 = vector.broadcast %broadcast_in_dim3A_319 : i32 to vector<16xi32>
        %gather3A_321 = tpu.vector_load_idx %arg5[%broadcast_in_dim3A_320, %get3A_90] : memref<64x512xf32, #tpu.memory_space<vmem>>[vector<16xi32>, vector<16xi32>], vector<16xf32>,
        %broadcast_in_dim3A_322 = arith.constant 62 : i32
        %broadcast_in_dim3A_323 = vector.broadcast %broadcast_in_dim3A_322 : i32 to vector<16xi32>
        %gather3A_324 = tpu.vector_load_idx %arg5[%broadcast_in_dim3A_323, %get3A_90] : memref<64x512xf32, #tpu.memory_space<vmem>>[vector<16xi32>, vector<16xi32>], vector<16xf32>,
        %broadcast_in_dim3A_325 = arith.constant 63 : i32
        %broadcast_in_dim3A_326 = vector.broadcast %broadcast_in_dim3A_325 : i32 to vector<16xi32>
        %gather3A_327 = tpu.vector_load_idx %arg5[%broadcast_in_dim3A_326, %get3A_90] : memref<64x512xf32, #tpu.memory_space<vmem>>[vector<16xi32>, vector<16xi32>], vector<16xf32>,
        %mul3A_328 = arith.constant 16 : i32
        %mul3A_329 = arith.muli %scan3A_87, %mul3A_328 : i32
        %swap3A_330 = arith.constant 24 : i32
        %swap3A_331 = arith.index_cast %swap3A_330 : i32 to index
        %swap3A_332 = arith.index_cast %mul3A_329 : i32 to index
        %swap3A_333 = tpu.vector_load %arg9[%swap3A_331, %swap3A_332] {strides = array<i32>} : memref<32x512xf32, #tpu.memory_space<vmem>>, vector<16xf32>,
        tpu.vector_store %arg9[%swap3A_331, %swap3A_332], %gather3A_306 {strides = array<i32>} : memref<32x512xf32, #tpu.memory_space<vmem>>, vector<16xf32>,
        %mul3A_334 = arith.constant 16 : i32
        %mul3A_335 = arith.muli %scan3A_87, %mul3A_334 : i32
        %swap3A_336 = arith.constant 25 : i32
        %swap3A_337 = arith.index_cast %swap3A_336 : i32 to index
        %swap3A_338 = arith.index_cast %mul3A_335 : i32 to index
        %swap3A_339 = tpu.vector_load %arg9[%swap3A_337, %swap3A_338] {strides = array<i32>} : memref<32x512xf32, #tpu.memory_space<vmem>>, vector<16xf32>,
        tpu.vector_store %arg9[%swap3A_337, %swap3A_338], %gather3A_309 {strides = array<i32>} : memref<32x512xf32, #tpu.memory_space<vmem>>, vector<16xf32>,
        %mul3A_340 = arith.constant 16 : i32
        %mul3A_341 = arith.muli %scan3A_87, %mul3A_340 : i32
        %swap3A_342 = arith.constant 26 : i32
        %swap3A_343 = arith.index_cast %swap3A_342 : i32 to index
        %swap3A_344 = arith.index_cast %mul3A_341 : i32 to index
        %swap3A_345 = tpu.vector_load %arg9[%swap3A_343, %swap3A_344] {strides = array<i32>} : memref<32x512xf32, #tpu.memory_space<vmem>>, vector<16xf32>,
        tpu.vector_store %arg9[%swap3A_343, %swap3A_344], %gather3A_312 {strides = array<i32>} : memref<32x512xf32, #tpu.memory_space<vmem>>, vector<16xf32>,
        %mul3A_346 = arith.constant 16 : i32
        %mul3A_347 = arith.muli %scan3A_87, %mul3A_346 : i32
        %swap3A_348 = arith.constant 27 : i32
        %swap3A_349 = arith.index_cast %swap3A_348 : i32 to index
        %swap3A_350 = arith.index_cast %mul3A_347 : i32 to index
        %swap3A_351 = tpu.vector_load %arg9[%swap3A_349, %swap3A_350] {strides = array<i32>} : memref<32x512xf32, #tpu.memory_space<vmem>>, vector<16xf32>,
        tpu.vector_store %arg9[%swap3A_349, %swap3A_350], %gather3A_315 {strides = array<i32>} : memref<32x512xf32, #tpu.memory_space<vmem>>, vector<16xf32>,
        %mul3A_352 = arith.constant 16 : i32
        %mul3A_353 = arith.muli %scan3A_87, %mul3A_352 : i32
        %swap3A_354 = arith.constant 28 : i32
        %swap3A_355 = arith.index_cast %swap3A_354 : i32 to index
        %swap3A_356 = arith.index_cast %mul3A_353 : i32 to index
        %swap3A_357 = tpu.vector_load %arg9[%swap3A_355, %swap3A_356] {strides = array<i32>} : memref<32x512xf32, #tpu.memory_space<vmem>>, vector<16xf32>,
        tpu.vector_store %arg9[%swap3A_355, %swap3A_356], %gather3A_318 {strides = array<i32>} : memref<32x512xf32, #tpu.memory_space<vmem>>, vector<16xf32>,
        %mul3A_358 = arith.constant 16 : i32
        %mul3A_359 = arith.muli %scan3A_87, %mul3A_358 : i32
        %swap3A_360 = arith.constant 29 : i32
        %swap3A_361 = arith.index_cast %swap3A_360 : i32 to index
        %swap3A_362 = arith.index_cast %mul3A_359 : i32 to index
        %swap3A_363 = tpu.vector_load %arg9[%swap3A_361, %swap3A_362] {strides = array<i32>} : memref<32x512xf32, #tpu.memory_space<vmem>>, vector<16xf32>,
        tpu.vector_store %arg9[%swap3A_361, %swap3A_362], %gather3A_321 {strides = array<i32>} : memref<32x512xf32, #tpu.memory_space<vmem>>, vector<16xf32>,
        %mul3A_364 = arith.constant 16 : i32
        %mul3A_365 = arith.muli %scan3A_87, %mul3A_364 : i32
        %swap3A_366 = arith.constant 30 : i32
        %swap3A_367 = arith.index_cast %swap3A_366 : i32 to index
        %swap3A_368 = arith.index_cast %mul3A_365 : i32 to index
        %swap3A_369 = tpu.vector_load %arg9[%swap3A_367, %swap3A_368] {strides = array<i32>} : memref<32x512xf32, #tpu.memory_space<vmem>>, vector<16xf32>,
        tpu.vector_store %arg9[%swap3A_367, %swap3A_368], %gather3A_324 {strides = array<i32>} : memref<32x512xf32, #tpu.memory_space<vmem>>, vector<16xf32>,
        %mul3A_370 = arith.constant 16 : i32
        %mul3A_371 = arith.muli %scan3A_87, %mul3A_370 : i32
        %swap3A_372 = arith.constant 31 : i32
        %swap3A_373 = arith.index_cast %swap3A_372 : i32 to index
        %swap3A_374 = arith.index_cast %mul3A_371 : i32 to index
        %swap3A_375 = tpu.vector_load %arg9[%swap3A_373, %swap3A_374] {strides = array<i32>} : memref<32x512xf32, #tpu.memory_space<vmem>>, vector<16xf32>,
        tpu.vector_store %arg9[%swap3A_373, %swap3A_374], %gather3A_327 {strides = array<i32>} : memref<32x512xf32, #tpu.memory_space<vmem>>, vector<16xf32>,
      }
      %scan3A_78 = arith.constant 32 : i32
      %dma_start3A_79 = arith.constant 32 : i32
      %dma_start3A_80 = arith.constant 0 : i32
      %dma_start3A_81 = tpu.memref_slice %arg4[%arg0, %select_n3A, %sub3A_46, %dma_start3A_79, %dma_start3A_80] : memref<2x24x24x64x512xf32, #tpu.memory_space<hbm>> -> memref<1x1x1x32x512xf32, #tpu.memory_space<hbm>>
      %dma_start3A_82 = tpu.memref_squeeze %dma_start3A_81 : memref<1x1x1x32x512xf32, #tpu.memory_space<hbm>> -> memref<32x512xf32, #tpu.memory_space<hbm>>
      %dma_start3A_83 = arith.constant 32 : i32
      %dma_start3A_84 = arith.constant 0 : i32
      %dma_start3A_85 = tpu.memref_slice %arg4[%arg0, %select_n3A, %sub3A_46, %dma_start3A_83, %dma_start3A_84] : memref<2x24x24x64x512xf32, #tpu.memory_space<hbm>> -> memref<1x1x1x32x512xf32, #tpu.memory_space<hbm>>
      %dma_start3A_86 = tpu.memref_squeeze %dma_start3A_85 : memref<1x1x1x32x512xf32, #tpu.memory_space<hbm>> -> memref<32x512xf32, #tpu.memory_space<hbm>>
      tpu.enqueue_dma source(%arg9 : memref<32x512xf32, #tpu.memory_space<vmem>>) target(%dma_start3A_86 : memref<32x512xf32, #tpu.memory_space<hbm>>) target_semaphore(%arg11 : memref<!tpu.dma_semaphore, #tpu.memory_space<semaphore_mem>>)
    }
    %scan3A_5 = arith.constant 36 : i32
    %dma_wait3A = arith.constant 0 : i32
    %dma_wait3A_6 = arith.constant 0 : i32
    %dma_wait3A_7 = arith.constant 0 : i32
    %dma_wait3A_8 = arith.constant 0 : i32
    %dma_wait3A_9 = arith.constant 0 : i32
    %dma_wait3A_10 = tpu.memref_slice %arg4[%dma_wait3A, %dma_wait3A_6, %dma_wait3A_7, %dma_wait3A_8, %dma_wait3A_9] : memref<2x24x24x64x512xf32, #tpu.memory_space<hbm>> -> memref<1x1x1x32x512xf32, #tpu.memory_space<hbm>>
    %dma_wait3A_11 = tpu.memref_squeeze %dma_wait3A_10 : memref<1x1x1x32x512xf32, #tpu.memory_space<hbm>> -> memref<32x512xf32, #tpu.memory_space<hbm>>
    %dma_wait3A_12 = arith.constant 0 : i32
    %dma_wait3A_13 = arith.constant 0 : i32
    %dma_wait3A_14 = tpu.memref_slice %arg4[%dma_wait3A, %dma_wait3A_6, %dma_wait3A_7, %dma_wait3A_12, %dma_wait3A_13] : memref<2x24x24x64x512xf32, #tpu.memory_space<hbm>> -> memref<1x1x1x32x512xf32, #tpu.memory_space<hbm>>
    %dma_wait3A_15 = tpu.memref_squeeze %dma_wait3A_14 : memref<1x1x1x32x512xf32, #tpu.memory_space<hbm>> -> memref<32x512xf32, #tpu.memory_space<hbm>>
    tpu.wait_dma2 semaphore(%arg10 : memref<!tpu.dma_semaphore, #tpu.memory_space<semaphore_mem>>) src(%dma_wait3A_15 : memref<32x512xf32, #tpu.memory_space<hbm>>) dst(%arg8 : memref<32x512xf32, #tpu.memory_space<vmem>>)
    %dma_wait3A_16 = arith.constant 0 : i32
    %dma_wait3A_17 = arith.constant 0 : i32
    %dma_wait3A_18 = arith.constant 0 : i32
    %dma_wait3A_19 = arith.constant 0 : i32
    %dma_wait3A_20 = arith.constant 0 : i32
    %dma_wait3A_21 = tpu.memref_slice %arg4[%dma_wait3A_16, %dma_wait3A_17, %dma_wait3A_18, %dma_wait3A_19, %dma_wait3A_20] : memref<2x24x24x64x512xf32, #tpu.memory_space<hbm>> -> memref<1x1x1x32x512xf32, #tpu.memory_space<hbm>>
    %dma_wait3A_22 = tpu.memref_squeeze %dma_wait3A_21 : memref<1x1x1x32x512xf32, #tpu.memory_space<hbm>> -> memref<32x512xf32, #tpu.memory_space<hbm>>
    %dma_wait3A_23 = arith.constant 0 : i32
    %dma_wait3A_24 = arith.constant 0 : i32
    %dma_wait3A_25 = tpu.memref_slice %arg4[%dma_wait3A_16, %dma_wait3A_17, %dma_wait3A_18, %dma_wait3A_23, %dma_wait3A_24] : memref<2x24x24x64x512xf32, #tpu.memory_space<hbm>> -> memref<1x1x1x32x512xf32, #tpu.memory_space<hbm>>
    %dma_wait3A_26 = tpu.memref_squeeze %dma_wait3A_25 : memref<1x1x1x32x512xf32, #tpu.memory_space<hbm>> -> memref<32x512xf32, #tpu.memory_space<hbm>>
    tpu.wait_dma2 semaphore(%arg11 : memref<!tpu.dma_semaphore, #tpu.memory_space<semaphore_mem>>) src(%dma_wait3A_26 : memref<32x512xf32, #tpu.memory_space<hbm>>) dst(%arg9 : memref<32x512xf32, #tpu.memory_space<vmem>>)
    return
  }
}

</mosaic_0001>

<sc_bundles>
// kernel: kernel.3.cloned.1.call-start
scs
__scs_entry_jumppad:
0x0: {  	(pc) =	sbr.rel $0x88, $3  }
0x1: {  	(tag) =	ssettag $0x0;
	lr =	simm.s32 $0x1  }
0x2: {  	[smem:$0x3F9F] =	sst lr;
	_ =	strace $0xD0000000  }
0x3: {  	_ = 	snop  }
0x4: {  	_ = 	snop  }
0x5: {  	_ = 	snop  }
0x6: {  	_ = 	snop  }
0x7: {  	_ = 	snop  }
__scs_overlays_trampoline_lowered:
0x8: {  	[smem:$0x3FAE] =	sst s0  }
0x9: {  	[smem:$0x3FAF] =	sst s1  }
0xa: {  	[smem:$0x3FB0] =	sst s2  }
0xb: {  	[smem:$0x3FB1] =	sst s3  }
0xc: {  	[smem:$0x3FB2] =	sst s4  }
0xd: {  	[smem:$0x3FB3] =	sst s5  }
0xe: {  	[smem:$0x3FB4] =	sst s6  }
0xf: {  	[smem:$0x3FB5] =	sst s7  }
0x10: {  	[smem:$0x3FB6] =	sst s8  }
0x11: {  	[smem:$0x3FB7] =	sst s9;
	s0 =	simm.s32 @!p0 $0x0  }
0x12: {  	s1 =	sld [smem:$0x3F9D];
	s0 =	simm.s32 @p0 $0x1  }
0x13: {  	[smem:$0x3FB8] =	sst s0;
	s0 =	simm.s32 @!p1 $0x0  }
0x14: {  	s2 =	sld [smem:$0x3F9C];
	s0 =	simm.s32 @p1 $0x1  }
0x15: {  	[smem:$0x3FB9] =	sst s0;
	s0 =	simm.s32 @!p2 $0x0  }
0x16: {  	s3 =	sld [smem:$0x3FDB];
	s0 =	simm.s32 @p2 $0x1  }
0x17: {  	s4 =	simm.s32 $0x1BF5;
	[smem:$0x3FBB] =	sst s0  }
0x18: {  	s0 =	sld [smem:$0x3F9E];
	_ =	swait.ge [sflag:s4], $0x0  }
0x19: {  	s7 =	sld [smem:$0x3F9F]  }
0x1a: {  	s8 =	sadd.s32 $0xFFFFE003, lr  }
0x1b: {  	s9 =	sadd.s32 $0xFFFFFEF7, lr;
	s5 =	simm.s32 $0xFFFFFFFF;
	p2 =	slt.u32 s8, $0xFFFFF086  }
0x1c: {  	p1 =	slt.u32 s9, $0xF7A;
	s5 =	simm.s32 @!p2 $0x0  }
0x1d: {  	s5 =	simm.s32 @p1 $0x1;
	p0 =	seq.s32 s7, s2  }
0x1e: {  	s7 =	smul.u32 @!p0 $0xF7A, s2;
	p2 =	seq.s32 @!p0 s5, $0x0  }
0x1f: {  	s9 =	smul.u32 $0xF7A, s1;
	s8 =	simm.s32 @!p0 $0x1BF5;
	p2 =	por !p2, p0  }
0x20: {  	[sflag:s8] =	ssyncset.s32 @!p0 $0xFFFFF086;
	s6 =	sadd.s32 @!p0 s3, s7;
	s7 =	simm.s32 @!p0 $0x108  }
0x21: {  	s3 =	sadd.s32 s3, s9;
	s6 =	sadd.s32 @!p0 $0x88, s6;
	s7 =	simm.s32 @p2 $0x1082  }
0x22: {  	[simem:s7], [sflag:s8] =	dma.local @!p0 [hbm:s6], $0xF7A  }
0x23: {  	s9 =	sor.u32 $0xD0000000, s2;
	s6 =	simm.s32 $0x108;
	_ =	swait.ge @!p0 [sflag:s8], $0x0  }
0x24: {  	s3 =	sadd.s32 $0x88, s3;
	s6 =	simm.s32 @!p1 $0x1082;
	[sflag:s4] =	ssyncset.s32 $0xFFFFF086  }
0x25: {  	[simem:s6], [sflag:s4] =	dma.local [hbm:s3], $0xF7A  }
0x26: {  	[smem:$0x3F9F] =	sst s1;
	(tag) =	ssettag s2;
	_ =	strace s9  }
0x27: {  	s1 =	sld [smem:$0x3FAF]  }
0x28: {  	s2 =	sld [smem:$0x3FB0]  }
0x29: {  	s4 =	sld [smem:$0x3FB2]  }
0x2a: {  	p0 =	seq.s32 s5, $0x0;
	s5 =	sld [smem:$0x3FB3]  }
0x2b: {  	s6 =	sld [smem:$0x3FB4]  }
0x2c: {  	s7 =	sld [smem:$0x3FB5]  }
0x2d: {  	s3 =	simm.s32 $0x108;
	s8 =	sld [smem:$0x3FB6]  }
0x2e: {  	s3 =	simm.s32 @!p0 $0x1082;
	s9 =	sld [smem:$0x3FB7]  }
0x2f: {  	lr =	sadd.s32 s0, s3;
	s0 =	sld [smem:$0x3FAE]  }
0x30: {  	s3 =	sld [smem:$0x3FB1]  }
0x31: {  	[smem:$0x3FBA] =	sst s10  }
0x32: {  	s10 =	sld [smem:$0x3FB8];
	_ =	sdelay $0x3  }
0x33: {  	p0 =	seq.s32 s10, $0x1;
	s10 =	sld [smem:$0x3FBA];
	_ =	sdelay $0x3  }
0x34: {  	[smem:$0x3FBA] =	sst s10  }
0x35: {  	s10 =	sld [smem:$0x3FB9];
	_ =	sdelay $0x3  }
0x36: {  	p1 =	seq.s32 s10, $0x1;
	s10 =	sld [smem:$0x3FBA];
	_ =	sdelay $0x3  }
0x37: {  	[smem:$0x3FBA] =	sst s10  }
0x38: {  	s10 =	sld [smem:$0x3FBB]  }
0x39: {  	_ = 	snop;
	(pc) =	sbr.ind lr, $3  }
0x3a: {  	_ = 	snop  }
0x3b: {  	_ = 	snop  }
0x3c: {  	p2 =	seq.s32 s10, $0x1;
	s10 =	sld [smem:$0x3FBA]  }
0x3d: {  	_ =	shalt  }
0x3e: {  	_ =	shalt  }
0x3f: {  	_ =	shalt  }
0x40: {  	_ =	shalt  }
0x41: {  	_ =	shalt  }
0x42: {  	_ =	shalt  }
0x43: {  	_ =	shalt  }
0x44: {  	_ =	shalt  }
0x45: {  	_ =	shalt  }
0x46: {  	_ =	shalt  }
0x47: {  	_ =	shalt  }
0x48: {  	_ =	shalt  }
0x49: {  	_ =	shalt  }
0x4a: {  	_ =	shalt  }
0x4b: {  	_ =	shalt  }
0x4c: {  	_ =	shalt  }
0x4d: {  	_ =	shalt  }
0x4e: {  	_ =	shalt  }
0x4f: {  	_ =	shalt  }
0x50: {  	_ =	shalt  }
0x51: {  	_ =	shalt  }
0x52: {  	_ =	shalt  }
0x53: {  	_ =	shalt  }
0x54: {  	_ =	shalt  }
0x55: {  	_ =	shalt  }
0x56: {  	_ =	shalt  }
0x57: {  	_ =	shalt  }
0x58: {  	_ =	shalt  }
0x59: {  	_ =	shalt  }
0x5a: {  	_ =	shalt  }
0x5b: {  	_ =	shalt  }
0x5c: {  	_ =	shalt  }
0x5d: {  	_ =	shalt  }
0x5e: {  	_ =	shalt  }
0x5f: {  	_ =	shalt  }
0x60: {  	_ =	shalt  }
0x61: {  	_ =	shalt  }
0x62: {  	_ =	shalt  }
0x63: {  	_ =	shalt  }
0x64: {  	_ =	shalt  }
0x65: {  	_ =	shalt  }
0x66: {  	_ =	shalt  }
0x67: {  	_ =	shalt  }
0x68: {  	_ =	shalt  }
0x69: {  	_ =	shalt  }
0x6a: {  	_ =	shalt  }
0x6b: {  	_ =	shalt  }
0x6c: {  	_ =	shalt  }
0x6d: {  	_ =	shalt  }
0x6e: {  	_ =	shalt  }
0x6f: {  	_ =	shalt  }
0x70: {  	_ =	shalt  }
0x71: {  	_ =	shalt  }
0x72: {  	_ =	shalt  }
0x73: {  	_ =	shalt  }
0x74: {  	_ =	shalt  }
0x75: {  	_ =	shalt  }
0x76: {  	_ =	shalt  }
0x77: {  	_ =	shalt  }
0x78: {  	_ =	shalt  }
0x79: {  	_ =	shalt  }
0x7a: {  	_ =	shalt  }
0x7b: {  	_ =	shalt  }
0x7c: {  	_ =	shalt  }
0x7d: {  	_ =	shalt  }
0x7e: {  	_ =	shalt  }
0x7f: {  	_ =	shalt  }
0x80: {  	_ =	shalt  }
0x81: {  	_ =	shalt  }
0x82: {  	_ =	shalt  }
0x83: {  	_ =	shalt  }
0x84: {  	_ =	shalt  }
0x85: {  	_ =	shalt  }
0x86: {  	_ =	shalt  }
0x87: {  	_ =	shalt  }
.Lfunc_end0:
.L_simem_size_0:
called_computation_lowered:
.L_overlay_start_0:
0x88: {  	s2 =	sld [smem:$0x3FD9]  }
0x89: {  	s3 =	sld [smem:$0x3FFE];
	_ =	sdelay $0x1  }
0x8a: {  	s1 =	srdreg.scid  }
0x8b: {  	s0 =	sand.u32 $0x1, s1  }
0x8c: {  	s18 =	sshll.u32 s0, $0xA;
	s2 =	sadd.s32 s3, s2  }
0x8d: {  	s2 =	sadd.s32 s2, s18  }
0x8e: {  	[smem:$0x3FC6] =	sst s2  }
0x8f: {  	_ = 	snop  }
0x90: {  	s2 =	sld [smem:$0x3FC9]  }
0x91: {  	s19 =	sld [smem:$0x3FC8]  }
0x92: {  	s4 =	sld [smem:$0x3FD0];
	(tm) =	ssettm $0x1  }
0x93: {  	s5 =	sld [smem:$0x3FFB];
	_ =	sdelay $0x3  }
0x94: {  	_ =	strace s5  }
0x95: {  	s5 =	sld [smem:$0x3FFC];
	_ =	sdelay $0x3  }
0x96: {  	_ =	strace s5  }
0x97: {  	s5 =	sld [smem:$0x3FFD];
	_ =	sdelay $0x3  }
0x98: {  	_ =	strace s5  }
0x99: {  	_ =	strace $0x8FFFFFFF  }
0x9a: {  	s20 =	sld [smem:$0x3FDB];
	_ =	sdelay $0x1  }
0x9b: {  	s6 =	simm.s32 $_scs_section_size  }
0x9c: {  	s7 =	simm.s32 $_size__tile_overlayer_lowered;
	s8 =	simm.s32 $_tile_overlayer_lowered  }
0x9d: {  	s23 =	simm.s32 $0x1BFF;
	s22 =	sshll.u32 s8, $0x1;
	s5 =	sadd.s32 s6, s20  }
0x9e: {  	s9 =	simm.s32 $0x0;
	s21 =	sshll.u32 s7, $0x1;
	s7 =	sadd.s32 s22, s5  }
0x9f: {  	[timem:s9], [sflag:s23] =	dma.local [hbm:s7], s21  }
0xa0: {  	_ =	swait.ge [sflag:s23], s21  }
0xa1: {  	s6 =	ssub.s32 $0x0, s21;
	[sflag:s23] =	ssyncset.done $0x0  }
0xa2: {  	[sflag:s23] =	ssyncadd.s32 s6;
	_ =	sdelay $0x1  }
0xa3: {  	s24 =	simm.s32 $0x1B8B  }
0xa4: {  	_ =	swait.ge [sflag:s24], $0x1  }
0xa5: {  	[sflag:s24] =	ssyncset.done $0x0  }
0xa6: {  	s25 =	simm.s32 $0x1B8E;
	[sflag:s24] =	ssyncadd.s32 $0xFFFFFFFF  }
0xa7: {  	s26 =	simm.s32 $execute0_lowered;
	[smem:$0x3FD2] =	sst s25  }
0xa8: {  	s6 =	sshll.u32 s26, $0x1;
	_ =	strace $0x80000046;
	[dreg:$0x1] =	wrdreg $0xFFFFFFFF  }
0xa9: {  	s28 =	simm.s32 $_size_execute0_lowered;
	s5 =	sadd.s32 s5, s6;
	[dreg:$0x0] =	wrdreg $0x0  }
0xaa: {  	s6 =	sshll.u32 s28, $0x1;
	[dreg:$0x2] =	wrdreg s5  }
0xab: {  	[dreg:$0x3] =	wrdreg s6  }
0xac: {  	[dreg:$0x4] =	wrdreg $0xC0  }
0xad: {  	_ =	task [dreg:s9], $0x5FFFF  }
0xae: {  	[dreg:$0x1] =	wrdreg $0xFFFFFFFF  }
0xaf: {  	[dreg:$0x0] =	wrdreg $0x60  }
0xb0: {  	[dreg:$0x2] =	wrdreg s2  }
0xb1: {  	[dreg:$0x3] =	wrdreg s19  }
0xb2: {  	[dreg:$0x4] =	wrdreg s4  }
0xb3: {  	[dreg:$0x5] =	wrdreg $0x9  }
0xb4: {  	_ =	task.clear_ibuf [dreg:s9], $0x6FFFF;
	_ =	strace $0x90000046  }
0xb5: {  	s29 =	simm.s32 $0x9;
	_ =	strace $0x80000048  }
0xb6: {  	_ =	swait.ge [sflag:s29], $0x1  }
0xb7: {  	[sflag:s29] =	ssyncadd.s32 $0xFFFFFFFF  }
0xb8: {  	_ =	strace $0x90000048  }
0xb9: {  	_ =	sfence  }
0xba: {  	s30 =	sld [smem:$0x0];
	_ =	sdelay $0x2  }
0xbb: {  	s31 =	sshll.u32 s1, $0xD;
	s1 =	sshrl.u32 s1, $0x2  }
0xbc: {  	s3 =	sand.u32 $0x4000, s31;
	s1 =	sadd.s32 s1, s30  }
0xbd: {  	s0 =	sor.u32 s3, s0;
	s1 =	sshll.u32 s1, $0x11  }
0xbe: {  	s0 =	sor.u32 s1, s0  }
0xbf: {  	s0 =	sadd.s32 $0x8F2B, s0  }
0xc0: {  	[sflag:s0] =	ssyncadd.remote.s32 $0x1  }
0xc1: {  	_ =	sfence.sel $0xFFFF  }
0xc2: {  	[dreg:$0x0] =	wrdreg $0xFFFFFFFF;
	(pc) =	sbr.abs _section_cstart, $3  }
0xc3: {  	[dreg:$0x1] =	wrdreg $0xFFFFFFFF  }
0xc4: {  	_ =	task.clear_ibuf [dreg:s9], $0x2FFFF;
	_ =	strace $0x9FFFFFFF  }
0xc5: {  	(tm) =	ssettm $0x7FFFFFFF  }
tec
execute0_lowered:
.L_overlay_start_1:
0x0: {  	(tag) =	ssettag $0x1  }
0x1: {  	s5 =	rddreg [dreg:$0x0]  }
0x2: {  	s6 =	rddreg [dreg:$0x1]  }
0x3: {  	s1 =	rddreg [dreg:$0x2]  }
0x4: {  	s0 =	rddreg [dreg:$0x3]  }
0x5: {  	s2 =	simm.s32 $0x0;
	s3 =	srdreg.scid;
	s11 =	simm.s32 $0x8000  }
0x6: {  	s12 =	simm.s32 $0xB200;
	s13 =	simm.s32 $0xF200;
	s14 =	simm.s32 $0x1  }
0x7: {  	s15 =	simm.s32 $0x2;
	s16 =	simm.s32 $0x0;
	[smem:$0x7FF] =	sst s2  }
0x8: {  	s7 =	sand.u32 $0x1, s3;
	s3 =	stileid.u32;
	_ =	strace $0x80000047  }
0x9: {  	s4 =	ssub.s32 $0x2, s7;
	s9 =	smul.u32 $0x600, s7;
	s31 =	sshll.u32 s7, $0xC  }
0xa: {  	s7 =	smul.u32 $0x1200000, s7;
	s8 =	sshrl.u32 s4, $0x1;
	s5 =	sadd.s32 s5, s31  }
0xb: {  	s10 =	ssub.s32 s4, s8;
	s4 =	smul.u32 $0x24, s3;
	s6 =	sadd.s32 s6, s9  }
0xc: {  	v0 =	vlaneseq.u32;
	s8 =	sadd.s32 $0x800, s1;
	s9 =	smax.u32 s10, $0x1;
	s10 =	simm.s32 $0x3  }
.LBB2_1:
0xd: {  	[tilespmem:s2], [sflag:$0x3] =	stream.linear.gather [hbm4b:s5+s2], $0x8000, $0x38;
	[tilespmem:$0x13200] =	vst v63  }
0xe: {  	_ =	swait.ge [sflag:s10], $0x8000  }
0xf: {  	[sflag:s10] =	ssyncset.done $0x0  }
0x10: {  	[sflag:s10] =	ssyncadd.s32 $0xFFFF8000  }
0x11: {  	[tilespmem:s11], [sflag:$0x3] =	stream.linear.gather [hbm4b:s6+s2], $0x3000, $0x38;
	[tilespmem:$0x13200] =	vst v63  }
0x12: {  	_ =	swait.ge [sflag:s10], $0x3000  }
0x13: {  	[sflag:s10] =	ssyncset.done $0x0  }
0x14: {  	s17 =	simm.s32 $0x0;
	[sflag:s10] =	ssyncadd.s32 $0xFFFFD000  }
.LBB2_2:
0x15: {  	s19 =	sadd.s32 s4, s17  }
0x16: {  	s18 =	smulhi.u32 $0xAAAAAAAB, s19;
	_ =	sdelay $0x1  }
0x17: {  	s18 =	sshrl.u32 s18, $0x4  }
0x18: {  	s20 =	simm.s32 $0x0;
	v1 =	vmov s18  }
0x19: {  	v3 =	vmov s20;
	v2 =	vshll.u32 v1, $0x9;
	v1 =	vshll.u32 v1, $0x7  }
0x1a: {  	v3 =	vshll.u32 v3, $0x3;
	v2 =	vand.u32 $0x7FFFF000, v2;
	v1 =	vand.u32 $0x380, v1  }
0x1b: {  	v3 =	vand.u32 $0xC00, v3;
	v1 =	vor.u32 v2, v1;
	v2 =	vor.u32 s20, v0  }
0x1c: {  	v2 =	vand.u32 $0x7F, v2;
	v3 =	vor.u32 v3, v1  }
0x1d: {  	v2 =	vor.u32 v2, v3;
	_ =	sdelay $0x4  }
0x1e: {  	s30 =	smul.u32 $0xFFFFFFE8, s18;
	v3 =	vld.idx.msk [tilespmem:v2+s11+$0x0], $0xffff;
	_ =	sdelay $0x1  }
0x1f: {  	s19 =	sadd.s32 s19, s30  }
0x20: {  	v2 =	vmov s19  }
0x21: {  	v4 =	vshll.u32 v2, $0x9;
	v2 =	vshll.u32 v2, $0x7  }
0x22: {  	v4 =	vand.u32 $0xFFFFF000, v4;
	v2 =	vand.u32 $0x380, v2;
	v5 =	vshll.u32 v3, $0x3  }
0x23: {  	v2 =	vor.u32 v2, v4;
	v4 =	vand.u32 $0xFFFFFC00, v5  }
0x24: {  	v3 =	vand.u32 $0x7F, v3;
	v4 =	vadd.s32 v2, v4  }
0x25: {  	v3 =	vor.u32 v3, v4  }
0x26: {  	s31 =	simm.s32 $0x10  }
0x27: {  	v4 =	vmov s31  }
0x28: {  	v4 =	vshll.u32 v4, $0x3  }
0x29: {  	v5 =	vor.u32 s31, v0;
	v4 =	vand.u32 $0xC00, v4  }
0x2a: {  	v5 =	vand.u32 $0x7F, v5;
	v4 =	vor.u32 v4, v1;
	v3 =	vld.idx.msk [tilespmem:v3+s11+$0x0], $0xffff  }
0x2b: {  	v4 =	vor.u32 v5, v4;
	_ =	sdelay $0x2  }
0x2c: {  	s20 =	simm.s32 $0xB000  }
0x2d: {  	[tilespmem:s20+$0x0] =	vst v3  }
0x2e: {  	v3 =	vld.idx.msk [tilespmem:v4+s11+$0x0], $0xffff;
	_ =	sdelay $0x4  }
0x2f: {  	v4 =	vshll.u32 v3, $0x3  }
0x30: {  	v4 =	vand.u32 $0xFFFFFC00, v4  }
0x31: {  	v3 =	vand.u32 $0x7F, v3;
	v4 =	vadd.s32 v2, v4  }
0x32: {  	v3 =	vor.u32 v3, v4;
	_ =	sdelay $0x1  }
0x33: {  	s21 =	simm.s32 $0x20  }
0x34: {  	s22 =	simm.s32 $0x30;
	v4 =	vmov s21  }
.LBB2_3:
0x35: {  	p0 =	sne.s32 s22, $0x1F0;
	v4 =	vshll.u32 v4, $0x3  }
0x36: {  	v5 =	vor.u32 s21, v0;
	s21 =	smov.u32 s22;
	v4 =	vand.u32 $0xC00, v4;
	v3 =	vld.idx.msk [tilespmem:v3+s11+$0x0], $0xffff  }
0x37: {  	v5 =	vand.u32 $0x7F, v5;
	v4 =	vor.u32 v4, v1  }
0x38: {  	v4 =	vor.u32 v5, v4;
	_ =	sdelay $0x2  }
0x39: {  	s20 =	sadd.s32 $0x10, s20  }
0x3a: {  	[tilespmem:s20+$0x0] =	vst v3  }
0x3b: {  	v3 =	vld.idx.msk [tilespmem:v4+s11+$0x0], $0xffff;
	_ =	sdelay $0x5  }
0x3c: {  	v4 =	vshll.u32 v3, $0x3  }
0x3d: {  	v4 =	vand.u32 $0xFFFFFC00, v4  }
.Ltmp0:
0x3e: {  	v3 =	vand.u32 $0x7F, v3;
	v4 =	vadd.s32 v2, v4;
	(pc) =	sbr.rel @p0 .LBB2_3-.Ltmp0, $2  }
0x3f: {  	v3 =	vor.u32 v3, v4;
	_ =	sdelay $0x2  }
0x40: {  	s22 =	sadd.s32 $0x10, s22;
	v4 =	vmov s21  }
0x41: {  	_ =	sdelay $0x1  }
0x42: {  	v4 =	vshll.u32 v4, $0x3  }
0x43: {  	v5 =	vor.u32 s21, v0;
	v4 =	vand.u32 $0xC00, v4  }
0x44: {  	v3 =	vld.idx.msk [tilespmem:v3+s11+$0x0], $0xffff;
	v5 =	vand.u32 $0x7F, v5;
	v1 =	vor.u32 v4, v1  }
0x45: {  	v1 =	vor.u32 v5, v1;
	_ =	sdelay $0x2  }
0x46: {  	s20 =	sadd.s32 $0x10, s20  }
0x47: {  	[tilespmem:s20+$0x0] =	vst v3  }
0x48: {  	v1 =	vld.idx.msk [tilespmem:v1+s11+$0x0], $0xffff;
	_ =	sdelay $0x4  }
0x49: {  	v3 =	vshll.u32 v1, $0x3  }
0x4a: {  	v3 =	vand.u32 $0xFFFFFC00, v3  }
0x4b: {  	v1 =	vand.u32 $0x7F, v1;
	v2 =	vadd.s32 v2, v3  }
0x4c: {  	v1 =	vor.u32 v1, v2;
	_ =	sdelay $0x4  }
0x4d: {  	v1 =	vld.idx.msk [tilespmem:v1+s11+$0x0], $0xffff;
	_ =	sdelay $0x3  }
0x4e: {  	p0 =	seq.s32 s17, $0x0;
	s20 =	sadd.s32 $0x10, s20  }
0x4f: {  	[tilespmem:s20+$0x0] =	vst v1;
	s20 =	simm.s32 @!p0 $0x1  }
0x50: {  	_ =	swait.ge @!p0 [sflag:s20], $0x4000  }
0x51: {  	s21 =	simm.s32 $0xB000;
	[sflag:s20] =	ssyncset.done @!p0 $0x0  }
0x52: {  	s22 =	simm.s32 $0x0;
	[sflag:s20] =	ssyncadd.s32 @!p0 $0xFFFFC000;
	s20 =	simm.s32 $0x0  }
.LBB2_5:
0x53: {  	v1 =	vld [tilespmem:s21+$0x0];
	_ =	sdelay $0x4  }
0x54: {  	v2 =	vshll.u32 v1, $0x3  }
0x55: {  	v1 =	vand.u32 $0x7F, v1;
	v2 =	vand.u32 $0xFFFFFC00, v2  }
0x56: {  	v1 =	vor.u32 v1, v2  }
0x57: {  	v2 =	vor.u32 $0x80, v1  }
0x58: {  	v3 =	vor.u32 $0x100, v1  }
0x59: {  	v4 =	vor.u32 $0x180, v1  }
0x5a: {  	v5 =	vor.u32 $0x200, v1  }
0x5b: {  	v7 =	vor.u32 $0x280, v1;
	v6 =	vld.idx.msk [tilespmem:v1+s2+$0x0], $0xffff  }
0x5c: {  	v8 =	vor.u32 $0x300, v1;
	v2 =	vld.idx.msk [tilespmem:v2+s2+$0x0], $0xffff  }
0x5d: {  	v9 =	vor.u32 $0x380, v1;
	v3 =	vld.idx.msk [tilespmem:v3+s2+$0x0], $0xffff  }
0x5e: {  	v4 =	vld.idx.msk [tilespmem:v4+s2+$0x0], $0xffff  }
0x5f: {  	v5 =	vld.idx.msk [tilespmem:v5+s2+$0x0], $0xffff  }
0x60: {  	s23 =	sand.u32 $0x70, s22;
	s24 =	sand.u32 $0xC00, s20;
	v7 =	vld.idx.msk [tilespmem:v7+s2+$0x0], $0xffff  }
0x61: {  	s23 =	sor.u32 s23, s24;
	v8 =	vld.idx.msk [tilespmem:v8+s2+$0x0], $0xffff  }
0x62: {  	v9 =	vld.idx.msk [tilespmem:v9+s2+$0x0], $0xffff;
	[tilespmem:s23+$0xB200] =	vst v6  }
0x63: {  	[tilespmem:s23+$0xB280] =	vst v2  }
0x64: {  	[tilespmem:s23+$0xB300] =	vst v3  }
0x65: {  	v47 =	vadd.s32 $0x1100, v1;
	[tilespmem:s23+$0xB380] =	vst v4  }
0x66: {  	v48 =	vadd.s32 $0x1180, v1;
	[tilespmem:s23+$0xB400] =	vst v5  }
0x67: {  	s31 =	sor.u32 s20, s22;
	v49 =	vadd.s32 $0x1200, v1;
	[tilespmem:s23+$0xB480] =	vst v7  }
0x68: {  	s24 =	sor.u32 $0x380, s31;
	v50 =	vadd.s32 $0x1280, v1;
	[tilespmem:s23+$0xB500] =	vst v8  }
0x69: {  	v51 =	vadd.s32 $0x1300, v1;
	[tilespmem:s24+$0xB200] =	vst v9  }
0x6a: {  	v52 =	vadd.s32 $0x1380, v1;
	v4 =	vld.idx.msk [tilespmem:v47+s2+$0x0], $0xffff  }
0x6b: {  	v2 =	vadd.s32 $0x1000, v1;
	v5 =	vld.idx.msk [tilespmem:v48+s2+$0x0], $0xffff  }
0x6c: {  	v3 =	vadd.s32 $0x1080, v1;
	v6 =	vld.idx.msk [tilespmem:v49+s2+$0x0], $0xffff  }
0x6d: {  	v7 =	vld.idx.msk [tilespmem:v50+s2+$0x0], $0xffff  }
0x6e: {  	v8 =	vld.idx.msk [tilespmem:v51+s2+$0x0], $0xffff  }
0x6f: {  	v9 =	vld.idx.msk [tilespmem:v52+s2+$0x0], $0xffff  }
0x70: {  	v2 =	vld.idx.msk [tilespmem:v2+s2+$0x0], $0xffff  }
0x71: {  	v3 =	vld.idx.msk [tilespmem:v3+s2+$0x0], $0xffff;
	[tilespmem:s23+$0xC300] =	vst v4  }
0x72: {  	[tilespmem:s23+$0xC380] =	vst v5  }
0x73: {  	[tilespmem:s23+$0xC400] =	vst v6  }
0x74: {  	v53 =	vadd.s32 $0x2100, v1;
	[tilespmem:s23+$0xC480] =	vst v7  }
0x75: {  	v54 =	vadd.s32 $0x2180, v1;
	[tilespmem:s23+$0xC500] =	vst v8  }
0x76: {  	v55 =	vadd.s32 $0x2200, v1;
	[tilespmem:s23+$0xC580] =	vst v9  }
0x77: {  	v56 =	vadd.s32 $0x2280, v1;
	[tilespmem:s23+$0xC200] =	vst v2  }
0x78: {  	v57 =	vadd.s32 $0x2300, v1;
	[tilespmem:s23+$0xC280] =	vst v3  }
0x79: {  	v58 =	vadd.s32 $0x2380, v1;
	v4 =	vld.idx.msk [tilespmem:v53+s2+$0x0], $0xffff  }
0x7a: {  	v2 =	vadd.s32 $0x2000, v1;
	v5 =	vld.idx.msk [tilespmem:v54+s2+$0x0], $0xffff  }
0x7b: {  	v3 =	vadd.s32 $0x2080, v1;
	v6 =	vld.idx.msk [tilespmem:v55+s2+$0x0], $0xffff  }
0x7c: {  	v7 =	vld.idx.msk [tilespmem:v56+s2+$0x0], $0xffff  }
0x7d: {  	v8 =	vld.idx.msk [tilespmem:v57+s2+$0x0], $0xffff  }
0x7e: {  	v9 =	vld.idx.msk [tilespmem:v58+s2+$0x0], $0xffff  }
0x7f: {  	v2 =	vld.idx.msk [tilespmem:v2+s2+$0x0], $0xffff  }
0x80: {  	v3 =	vld.idx.msk [tilespmem:v3+s2+$0x0], $0xffff;
	[tilespmem:s23+$0xD300] =	vst v4  }
0x81: {  	[tilespmem:s23+$0xD380] =	vst v5  }
0x82: {  	[tilespmem:s23+$0xD400] =	vst v6  }
0x83: {  	v59 =	vadd.s32 $0x3100, v1;
	[tilespmem:s23+$0xD480] =	vst v7  }
0x84: {  	v60 =	vadd.s32 $0x3180, v1;
	[tilespmem:s23+$0xD500] =	vst v8  }
0x85: {  	v61 =	vadd.s32 $0x3200, v1;
	[tilespmem:s23+$0xD580] =	vst v9  }
0x86: {  	v62 =	vadd.s32 $0x3280, v1;
	[tilespmem:s23+$0xD200] =	vst v2  }
0x87: {  	v63 =	vadd.s32 $0x3300, v1;
	[tilespmem:s23+$0xD280] =	vst v3  }
0x88: {  	v2 =	vadd.s32 $0x3000, v1;
	v4 =	vld.idx.msk [tilespmem:v59+s2+$0x0], $0xffff  }
0x89: {  	v3 =	vadd.s32 $0x3080, v1;
	v5 =	vld.idx.msk [tilespmem:v60+s2+$0x0], $0xffff  }
0x8a: {  	v1 =	vadd.s32 $0x3380, v1;
	v6 =	vld.idx.msk [tilespmem:v61+s2+$0x0], $0xffff  }
0x8b: {  	v7 =	vld.idx.msk [tilespmem:v62+s2+$0x0], $0xffff  }
0x8c: {  	v8 =	vld.idx.msk [tilespmem:v63+s2+$0x0], $0xffff  }
0x8d: {  	v2 =	vld.idx.msk [tilespmem:v2+s2+$0x0], $0xffff  }
0x8e: {  	v3 =	vld.idx.msk [tilespmem:v3+s2+$0x0], $0xffff  }
0x8f: {  	v1 =	vld.idx.msk [tilespmem:v1+s2+$0x0], $0xffff;
	[tilespmem:s23+$0xE300] =	vst v4  }
0x90: {  	[tilespmem:s23+$0xE380] =	vst v5  }
0x91: {  	p1 =	sne.s32 s22, $0x1F0;
	[tilespmem:s23+$0xE400] =	vst v6  }
.Ltmp1:
0x92: {  	[tilespmem:s23+$0xE480] =	vst v7;
	(pc) =	sbr.rel @p1 .LBB2_5-.Ltmp1, $4  }
0x93: {  	[tilespmem:s23+$0xE500] =	vst v8  }
0x94: {  	[tilespmem:s23+$0xE200] =	vst v2  }
0x95: {  	[tilespmem:s23+$0xE280] =	vst v3  }
0x96: {  	s20 =	sadd.s32 $0x80, s20;
	s21 =	sadd.s32 $0x10, s21;
	s22 =	sadd.s32 $0x10, s22;
	[tilespmem:s23+$0xE580] =	vst v1  }
0x97: {  	s18 =	smul.u32 $0xC0000, s18;
	_ =	sdelay $0x1  }
0x98: {  	s19 =	sshll.u32 s19, $0xF;
	s18 =	sadd.s32 s7, s18  }
0x99: {  	s18 =	sadd.s32 s19, s18  }
0x9a: {  	s18 =	sshrl.u32 s18, $0x3  }
0x9b: {  	s19 =	simm.s32 @!p0 $0x2;
	s31 =	sadd.s32 s1, s18  }
0x9c: {  	[hbm4b:s31+s2] =	stream.linear.scatter [tilespmem:s12], [sflag:$0x1], $0x4000, $0x38;
	[tilespmem:$0x13200] =	vst v63  }
0x9d: {  	_ =	swait.ge @!p0 [sflag:s19], $0x4000  }
0x9e: {  	s20 =	simm.s32 $0xB000;
	[sflag:s19] =	ssyncset.done @!p0 $0x0  }
0x9f: {  	s21 =	simm.s32 $0x0;
	[sflag:s19] =	ssyncadd.s32 @!p0 $0xFFFFC000;
	s19 =	simm.s32 $0x0  }
.LBB2_7:
0xa0: {  	v1 =	vld [tilespmem:s20+$0x0];
	_ =	sdelay $0x4  }
0xa1: {  	v2 =	vshll.u32 v1, $0x3  }
0xa2: {  	v1 =	vand.u32 $0x7F, v1;
	v2 =	vand.u32 $0xFFFFFC00, v2  }
0xa3: {  	v1 =	vor.u32 v1, v2  }
0xa4: {  	v2 =	vadd.s32 $0x4000, v1  }
0xa5: {  	v3 =	vadd.s32 $0x4080, v1  }
0xa6: {  	v4 =	vadd.s32 $0x4100, v1  }
0xa7: {  	v5 =	vadd.s32 $0x4180, v1  }
0xa8: {  	v6 =	vadd.s32 $0x4200, v1  }
0xa9: {  	v7 =	vadd.s32 $0x4280, v1;
	v2 =	vld.idx.msk [tilespmem:v2+s2+$0x0], $0xffff  }
0xaa: {  	v8 =	vadd.s32 $0x4300, v1;
	v3 =	vld.idx.msk [tilespmem:v3+s2+$0x0], $0xffff  }
0xab: {  	v9 =	vadd.s32 $0x4380, v1;
	v4 =	vld.idx.msk [tilespmem:v4+s2+$0x0], $0xffff  }
0xac: {  	v5 =	vld.idx.msk [tilespmem:v5+s2+$0x0], $0xffff  }
0xad: {  	v6 =	vld.idx.msk [tilespmem:v6+s2+$0x0], $0xffff  }
0xae: {  	s22 =	sand.u32 $0x70, s21;
	s23 =	sand.u32 $0xC00, s19;
	v7 =	vld.idx.msk [tilespmem:v7+s2+$0x0], $0xffff  }
0xaf: {  	s22 =	sor.u32 s22, s23;
	v8 =	vld.idx.msk [tilespmem:v8+s2+$0x0], $0xffff  }
0xb0: {  	v9 =	vld.idx.msk [tilespmem:v9+s2+$0x0], $0xffff;
	[tilespmem:s22+$0xF200] =	vst v2  }
0xb1: {  	[tilespmem:s22+$0xF280] =	vst v3  }
0xb2: {  	[tilespmem:s22+$0xF300] =	vst v4  }
0xb3: {  	v47 =	vadd.s32 $0x5100, v1;
	[tilespmem:s22+$0xF380] =	vst v5  }
0xb4: {  	v48 =	vadd.s32 $0x5180, v1;
	[tilespmem:s22+$0xF400] =	vst v6  }
0xb5: {  	s31 =	sor.u32 s19, s21;
	v49 =	vadd.s32 $0x5200, v1;
	[tilespmem:s22+$0xF480] =	vst v7  }
0xb6: {  	s23 =	sor.u32 $0x380, s31;
	v50 =	vadd.s32 $0x5280, v1;
	[tilespmem:s22+$0xF500] =	vst v8  }
0xb7: {  	v51 =	vadd.s32 $0x5300, v1;
	[tilespmem:s23+$0xF200] =	vst v9  }
0xb8: {  	v52 =	vadd.s32 $0x5380, v1;
	v4 =	vld.idx.msk [tilespmem:v47+s2+$0x0], $0xffff  }
0xb9: {  	v2 =	vadd.s32 $0x5000, v1;
	v5 =	vld.idx.msk [tilespmem:v48+s2+$0x0], $0xffff  }
0xba: {  	v3 =	vadd.s32 $0x5080, v1;
	v6 =	vld.idx.msk [tilespmem:v49+s2+$0x0], $0xffff  }
0xbb: {  	v7 =	vld.idx.msk [tilespmem:v50+s2+$0x0], $0xffff  }
0xbc: {  	v8 =	vld.idx.msk [tilespmem:v51+s2+$0x0], $0xffff  }
0xbd: {  	v9 =	vld.idx.msk [tilespmem:v52+s2+$0x0], $0xffff  }
0xbe: {  	v2 =	vld.idx.msk [tilespmem:v2+s2+$0x0], $0xffff  }
0xbf: {  	v3 =	vld.idx.msk [tilespmem:v3+s2+$0x0], $0xffff;
	[tilespmem:s22+$0x10300] =	vst v4  }
0xc0: {  	[tilespmem:s22+$0x10380] =	vst v5  }
0xc1: {  	[tilespmem:s22+$0x10400] =	vst v6  }
0xc2: {  	v53 =	vadd.s32 $0x6100, v1;
	[tilespmem:s22+$0x10480] =	vst v7  }
0xc3: {  	v54 =	vadd.s32 $0x6180, v1;
	[tilespmem:s22+$0x10500] =	vst v8  }
0xc4: {  	v55 =	vadd.s32 $0x6200, v1;
	[tilespmem:s22+$0x10580] =	vst v9  }
0xc5: {  	v56 =	vadd.s32 $0x6280, v1;
	[tilespmem:s22+$0x10200] =	vst v2  }
0xc6: {  	v57 =	vadd.s32 $0x6300, v1;
	[tilespmem:s22+$0x10280] =	vst v3  }
0xc7: {  	v58 =	vadd.s32 $0x6380, v1;
	v4 =	vld.idx.msk [tilespmem:v53+s2+$0x0], $0xffff  }
0xc8: {  	v2 =	vadd.s32 $0x6000, v1;
	v5 =	vld.idx.msk [tilespmem:v54+s2+$0x0], $0xffff  }
0xc9: {  	v3 =	vadd.s32 $0x6080, v1;
	v6 =	vld.idx.msk [tilespmem:v55+s2+$0x0], $0xffff  }
0xca: {  	v7 =	vld.idx.msk [tilespmem:v56+s2+$0x0], $0xffff  }
0xcb: {  	v8 =	vld.idx.msk [tilespmem:v57+s2+$0x0], $0xffff  }
0xcc: {  	v9 =	vld.idx.msk [tilespmem:v58+s2+$0x0], $0xffff  }
0xcd: {  	v2 =	vld.idx.msk [tilespmem:v2+s2+$0x0], $0xffff  }
0xce: {  	v3 =	vld.idx.msk [tilespmem:v3+s2+$0x0], $0xffff;
	[tilespmem:s22+$0x11300] =	vst v4  }
0xcf: {  	[tilespmem:s22+$0x11380] =	vst v5  }
0xd0: {  	[tilespmem:s22+$0x11400] =	vst v6  }
0xd1: {  	v59 =	vadd.s32 $0x7100, v1;
	[tilespmem:s22+$0x11480] =	vst v7  }
0xd2: {  	v60 =	vadd.s32 $0x7180, v1;
	[tilespmem:s22+$0x11500] =	vst v8  }
0xd3: {  	v61 =	vadd.s32 $0x7200, v1;
	[tilespmem:s22+$0x11580] =	vst v9  }
0xd4: {  	v62 =	vadd.s32 $0x7280, v1;
	[tilespmem:s22+$0x11200] =	vst v2  }
0xd5: {  	v63 =	vadd.s32 $0x7300, v1;
	[tilespmem:s22+$0x11280] =	vst v3  }
0xd6: {  	v2 =	vadd.s32 $0x7000, v1;
	v4 =	vld.idx.msk [tilespmem:v59+s2+$0x0], $0xffff  }
0xd7: {  	v3 =	vadd.s32 $0x7080, v1;
	v5 =	vld.idx.msk [tilespmem:v60+s2+$0x0], $0xffff  }
0xd8: {  	v1 =	vadd.s32 $0x7380, v1;
	v6 =	vld.idx.msk [tilespmem:v61+s2+$0x0], $0xffff  }
0xd9: {  	v7 =	vld.idx.msk [tilespmem:v62+s2+$0x0], $0xffff  }
0xda: {  	v8 =	vld.idx.msk [tilespmem:v63+s2+$0x0], $0xffff  }
0xdb: {  	v2 =	vld.idx.msk [tilespmem:v2+s2+$0x0], $0xffff  }
0xdc: {  	v3 =	vld.idx.msk [tilespmem:v3+s2+$0x0], $0xffff  }
0xdd: {  	v1 =	vld.idx.msk [tilespmem:v1+s2+$0x0], $0xffff;
	[tilespmem:s22+$0x12300] =	vst v4  }
0xde: {  	[tilespmem:s22+$0x12380] =	vst v5  }
0xdf: {  	p0 =	sne.s32 s21, $0x1F0;
	[tilespmem:s22+$0x12400] =	vst v6  }
.Ltmp2:
0xe0: {  	[tilespmem:s22+$0x12480] =	vst v7;
	(pc) =	sbr.rel @p0 .LBB2_7-.Ltmp2, $4  }
0xe1: {  	[tilespmem:s22+$0x12500] =	vst v8  }
0xe2: {  	[tilespmem:s22+$0x12200] =	vst v2  }
0xe3: {  	[tilespmem:s22+$0x12280] =	vst v3  }
0xe4: {  	s19 =	sadd.s32 $0x80, s19;
	s20 =	sadd.s32 $0x10, s20;
	s21 =	sadd.s32 $0x10, s21;
	[tilespmem:s22+$0x12580] =	vst v1  }
0xe5: {  	s17 =	sadd.s32 $0x1, s17  }
0xe6: {  	p0 =	sne.s32 s17, $0x24  }
.Ltmp3:
0xe7: {  	_ = 	snop;
	(pc) =	sbr.rel @p0 .LBB2_2-.Ltmp3, $3  }
0xe8: {  	_ =	sdelay $0x1  }
0xe9: {  	s18 =	sadd.s32 s18, s8  }
0xea: {  	[hbm4b:s18+s2] =	stream.linear.scatter [tilespmem:s13], [sflag:$0x2], $0x4000, $0x38;
	[tilespmem:$0x13200] =	vst v63  }
0xeb: {  	s16 =	sadd.s32 $0x1, s16  }
0xec: {  	_ =	swait.ge [sflag:s14], $0x4000;
	p0 =	sne.s32 s16, s9  }
.Ltmp4:
0xed: {  	[sflag:s14] =	ssyncset.done $0x0;
	(pc) =	sbr.rel @p0 .LBB2_1-.Ltmp4, $4  }
0xee: {  	[sflag:s14] =	ssyncadd.s32 $0xFFFFC000  }
0xef: {  	_ =	swait.ge [sflag:s15], $0x4000  }
0xf0: {  	[sflag:s15] =	ssyncset.done $0x0  }
0xf1: {  	[sflag:s15] =	ssyncadd.s32 $0xFFFFC000  }
0xf2: {  	_ =	sfence.sel $0x180000  }
0xf3: {  	[bflag:$0x0] =	sbarrier.arrive $0xFFFF  }
0xf4: {  	p0 =	sne.s32 s3, $0x0;
	_ =	strace $0x90000047  }
0xf5: {  	s0 =	sadd.s32 @!p0 $0x100000, s0;
	[bflag:$0x2] =	sbarrier.arrive $0xFFFF  }
0xf6: {  	[sflag:s0] =	ssyncadd.tile.s32 @!p0 $0x1;
	_ =	shalt  }
.Lfunc_end2:
_tile_overlayer_lowered:
.L_overlay_start_2:
0xf7: {  	(tag) =	ssettag $0x2  }
0xf8: {  	s0 =	rddreg [dreg:$0x0];
	s2 =	stileid.u32  }
0xf9: {  	s1 =	rddreg [dreg:$0x1];
	p0 =	sne.s32 s2, $0x0  }
0xfa: {  	s3 =	rddreg [dreg:$0x2];
	[bflag:$0x3] =	sbarrier.arrive $0xFFFF;
	s2 =	simm.s32 @!p0 $0x1C03  }
0xfb: {  	[timem:s3], [sflag:s2] =	dma.local @!p0 [hbm:s0], s1  }
0xfc: {  	s0 =	simm.s32 @!p0 $0x3  }
0xfd: {  	_ =	swait.ge @!p0 [sflag:s0], s1  }
0xfe: {  	s1 =	ssub.s32 @!p0 $0x0, s1;
	[sflag:s0] =	ssyncset.done @!p0 $0x0  }
0xff: {  	[sflag:s0] =	ssyncadd.s32 @!p0 s1  }
0x100: {  	[bflag:$0x3] =	sbarrier.arrive $0xFFFF  }
0x101: {  	_ =	shalt  }

</sc_bundles>
